<compile_context>
chip_gen: v7x
topology: tpu7x:2x2x1
jax: 0.10.2.dev20260603
libtpu: 0.0.44.dev20260713+nightly
codegen_flags: <defaults>
</compile_context>

<pallas_src>
import dataclasses
import functools

import jax
import jax.numpy as jnp
from jax import lax
from jax.experimental import pallas as pl
from jax.experimental.pallas import tpu as pltpu
from jax.experimental.pallas import tpu_sc as plsc

N = 10000
E = 160000
E2 = 2 * E
D = 256
H = 128
NC, NS = 2, 16
NB = 160
CB = 16
EPAD = NS * NB * 128
ACC_ROWS = 10112
HIST = 10240
BN = 1000

_sc_mesh = plsc.VectorSubcoreMesh(core_axis_name="c", subcore_axis_name="s")

_sc_params = pltpu.CompilerParams()
if "needs_layout_passes" in pltpu.CompilerParams.__dataclass_fields__:
    _sc_params = dataclasses.replace(_sc_params, needs_layout_passes=False)



@functools.partial(
    pl.kernel,
    out_type=jax.ShapeDtypeStruct((NC * NS, HIST), jnp.float32),
    mesh=_sc_mesh,
    scratch_types=[
        pltpu.VMEM((E2 // (NC * NS),), jnp.int32),
        pltpu.VMEM((HIST,), jnp.float32),
        pltpu.SemaphoreType.DMA,
    ],
    compiler_params=_sc_params,
)
def _deg_kernel(ends_hbm, hist_hbm, idx_v, hist_v, sem):
    chunk = E2 // (NC * NS)
    wid = lax.axis_index("s") * NC + lax.axis_index("c")
    pltpu.async_copy(ends_hbm.at[pl.ds(wid * chunk, chunk)], idx_v, sem).wait()

    @pl.loop(0, HIST, step=16)
    def _(i):
        hist_v[pl.ds(i, 16)] = jnp.zeros((16,), jnp.float32)

    ones = jnp.ones((16,), jnp.float32)

    @pl.loop(0, chunk, step=16)
    def _(i):
        plsc.addupdate_scatter(hist_v, [idx_v[pl.ds(i, 16)]], ones)

    pltpu.async_copy(hist_v, hist_hbm.at[wid], sem).wait()



def _k0_body(hist_ref, dinv_ref):
    deg = jnp.sum(hist_ref[...], axis=0)
    dinv_ref[...] = jnp.where(deg > 0.0, lax.rsqrt(deg), 0.0)


_k0_call = pl.pallas_call(
    _k0_body,
    in_specs=[pl.BlockSpec((NC * NS, HIST), lambda: (0, 0))],
    out_specs=pl.BlockSpec((HIST,), lambda: (0,)),
    out_shape=jax.ShapeDtypeStruct((HIST,), jnp.float32),
)



def _b_body(x_ref, w_ref, b_ref, dinv_ref, y_ref):
    x1 = jnp.dot(x_ref[...], w_ref[...], preferred_element_type=jnp.float32)
    x1 = jnp.maximum(x1 + b_ref[...], 0.0)
    y_ref[...] = x1 * dinv_ref[...]


_b_call = pl.pallas_call(
    _b_body,
    grid=(2, N // BN),
    in_specs=[
        pl.BlockSpec((BN, D), lambda c, i: (i, 0)),
        pl.BlockSpec((D, H), lambda c, i: (0, c)),
        pl.BlockSpec((1, H), lambda c, i: (0, c)),
        pl.BlockSpec((BN, 1), lambda c, i: (i, 0)),
    ],
    out_specs=pl.BlockSpec((BN, H), lambda c, i: (c * (N // BN) + i, 0)),
    out_shape=jax.ShapeDtypeStruct((2 * N, H), jnp.float32),
)



@functools.partial(
    pl.kernel,
    out_type=jax.ShapeDtypeStruct((NC, ACC_ROWS, H), jnp.float32),
    mesh=_sc_mesh,
    scratch_types=[
        pltpu.VMEM_SHARED((ACC_ROWS, H), jnp.float32),
        pltpu.VMEM((CB, 128), jnp.int32),
        pltpu.VMEM((CB, 128), jnp.int32),
        pltpu.VMEM((128, H), jnp.float32),
        pltpu.SemaphoreType.DMA,
        pltpu.SemaphoreType.DMA,
    ],
)
def _gs_kernel(y_hbm, ridx_hbm, cidx_hbm, z_hbm, out_hbm,
               acc_s, ridx_v, cidx_v, rows_v, sem, gsem):
    cid = lax.axis_index("c")
    sid = lax.axis_index("s")
    zrows = ACC_ROWS // NS
    pltpu.async_copy(z_hbm.at[pl.ds(sid * zrows, zrows)],
                     acc_s.at[pl.ds(sid * zrows, zrows)], sem).wait()
    plsc.subcore_barrier()

    @pl.loop(0, NB // CB)
    def _(c):
        pltpu.async_copy(ridx_hbm.at[sid, pl.ds(c * CB, CB)], ridx_v, sem).wait()
        pltpu.async_copy(cidx_hbm.at[cid, sid, pl.ds(c * CB, CB)], cidx_v, sem).wait()

        @pl.loop(0, CB)
        def _(b):
            pltpu.async_copy(y_hbm.at[cidx_v.at[b]], rows_v, gsem).wait()
            pltpu.sync_copy(rows_v, acc_s.at[ridx_v.at[b]], add=True)

    plsc.subcore_barrier()
    pltpu.async_copy(acc_s.at[pl.ds(sid * zrows, zrows)],
                     out_hbm.at[cid, pl.ds(sid * zrows, zrows)], sem).wait()



def _d_body(o_ref, dinv_ref, h_ref, wih_ref, whh_ref, bih_ref, bhh_ref,
            out_ref, hnew_ref):
    out_blk = jnp.concatenate([o_ref[0], o_ref[1]], axis=1) * dinv_ref[...]
    h = h_ref[...]
    gi = jnp.dot(out_blk, wih_ref[...], preferred_element_type=jnp.float32)
    gi = gi + bih_ref[...]
    gh = jnp.dot(h, whh_ref[...], preferred_element_type=jnp.float32)
    gh = gh + bhh_ref[...]
    r = jax.nn.sigmoid(gi[:, :D] + gh[:, :D])
    z = jax.nn.sigmoid(gi[:, D:2 * D] + gh[:, D:2 * D])
    n = jnp.tanh(gi[:, 2 * D:] + r * gh[:, 2 * D:])
    out_ref[...] = out_blk
    hnew_ref[...] = (1.0 - z) * n + z * h


_d_call = pl.pallas_call(
    _d_body,
    grid=(N // BN,),
    in_specs=[
        pl.BlockSpec((NC, BN, H), lambda i: (0, i, 0)),
        pl.BlockSpec((BN, 1), lambda i: (i, 0)),
        pl.BlockSpec((BN, D), lambda i: (i, 0)),
        pl.BlockSpec((D, 3 * D), lambda i: (0, 0)),
        pl.BlockSpec((D, 3 * D), lambda i: (0, 0)),
        pl.BlockSpec((1, 3 * D), lambda i: (0, 0)),
        pl.BlockSpec((1, 3 * D), lambda i: (0, 0)),
    ],
    out_specs=[
        pl.BlockSpec((BN, D), lambda i: (i, 0)),
        pl.BlockSpec((BN, D), lambda i: (i, 0)),
    ],
    out_shape=[
        jax.ShapeDtypeStruct((N, D), jnp.float32),
        jax.ShapeDtypeStruct((N, D), jnp.float32),
    ],
)


def kernel(x, edge_index, h_prev, weight, bias, W_ih, W_hh, b_ih, b_hh):
    ei = edge_index.astype(jnp.int32)

    row = jnp.concatenate([ei[0], ei[1]])
    col = jnp.concatenate([ei[1], ei[0]])

    hist = _deg_kernel(row)
    dinv_lane = _k0_call(hist)
    dinv = dinv_lane[:N].reshape(N, 1)
    y_tab = _b_call(x, weight, bias.reshape(1, D), dinv)
    npad = EPAD - E2
    rowp = jnp.concatenate([row, jnp.full((npad,), N, jnp.int32)])
    colp = jnp.concatenate([col, jnp.zeros((npad,), jnp.int32)])
    ridx3 = rowp.reshape(NS, NB, 128)
    cidx4 = jnp.stack([colp, colp + N]).reshape(NC, NS, NB, 128)
    zeros = jnp.zeros((ACC_ROWS, H), jnp.float32)

    out_raw = _gs_kernel(y_tab, ridx3, cidx4, zeros)
    out, h_new = _d_call(out_raw, dinv, h_prev,
                         W_ih.T, W_hh.T,
                         b_ih.reshape(1, 3 * D), b_hh.reshape(1, 3 * D))
    return (out, h_new)

# --- scband reference (transcript-rebuilt; emitter-appended) ---
"""Pipeline reference for scband-evolve-gcnlayer-76347338654220 (READ-ONLY COPY).

The authoritative reference and input builder live on the scoring server;
editing this copy changes nothing except your own understanding.
"""

import jax, jax.numpy as jnp
import numpy as np

N_NODES = 10000
N_EDGES = 160000
D_IN = 256
D_OUT = 256


def setup_inputs(seed: int = 0) -> dict:
    key = jax.random.key(seed)
    k_x, k_e, k_h, k_w, k_wih, k_whh = jax.random.split(key, 6)
    x = jax.random.normal(k_x, (N_NODES, D_IN), dtype=jnp.float32)
    edge_index = jax.random.randint(k_e, (2, N_EDGES), 0, N_NODES, dtype=jnp.int64)
    h_prev = jax.random.normal(k_h, (N_NODES, D_OUT), dtype=jnp.float32)
    # GCN weight: xavier_uniform_ on (in, out), bias zeros
    limit = float(np.sqrt(6.0 / (D_IN + D_OUT)))
    weight = jax.random.uniform(k_w, (D_IN, D_OUT), dtype=jnp.float32, minval=-limit, maxval=limit)
    bias = jnp.zeros((D_OUT,), dtype=jnp.float32)
    # GRUCell params (torch layout: weight_ih [3H, H_in], weight_hh [3H, H])
    stdv = 1.0 / float(np.sqrt(D_OUT))
    k1, k2, k3, k4 = jax.random.split(k_wih, 4)
    W_ih = jax.random.uniform(k1, (3 * D_OUT, D_OUT), dtype=jnp.float32, minval=-stdv, maxval=stdv)
    W_hh = jax.random.uniform(k2, (3 * D_OUT, D_OUT), dtype=jnp.float32, minval=-stdv, maxval=stdv)
    b_ih = jax.random.uniform(k3, (3 * D_OUT,), dtype=jnp.float32, minval=-stdv, maxval=stdv)
    b_hh = jax.random.uniform(k4, (3 * D_OUT,), dtype=jnp.float32, minval=-stdv, maxval=stdv)
    return {"x": x, "edge_index": edge_index, "h_prev": h_prev,
            "weight": weight, "bias": bias,
            "W_ih": W_ih, "W_hh": W_hh, "b_ih": b_ih, "b_hh": b_hh}


def _to_undirected(edge_index):
    # concat edges with their reverse (row<->col swapped)
    rev = jnp.stack([edge_index[1], edge_index[0]], axis=0)
    return jnp.concatenate([edge_index, rev], axis=1)


def _gru_cell(inp, h, W_ih, W_hh, b_ih, b_hh):
    gi = inp @ W_ih.T + b_ih
    gh = h @ W_hh.T + b_hh
    i_r, i_z, i_n = jnp.split(gi, 3, axis=1)
    h_r, h_z, h_n = jnp.split(gh, 3, axis=1)
    r = jax.nn.sigmoid(i_r + h_r)
    z = jax.nn.sigmoid(i_z + h_z)
    n = jnp.tanh(i_n + r * h_n)
    return (1.0 - z) * n + z * h


def reference(x, edge_index, h_prev, weight, bias, W_ih, W_hh, b_ih, b_hh):
    x = jax.nn.relu(x @ weight + bias)
    ei = _to_undirected(edge_index)
    row, col = ei[0], ei[1]
    # NOTE: faithful to the torch code, deg buffer is sized len(row) (= 2E),
    # indexed by node ids (< N <= 2E), so this is well-defined.
    deg = jnp.zeros((row.shape[0],), dtype=jnp.float32).at[row].add(1.0)
    deg_inv_sqrt = deg ** -0.5
    deg_inv_sqrt = jnp.where(jnp.isinf(deg_inv_sqrt), 0.0, deg_inv_sqrt)
    norm = deg_inv_sqrt[row] * deg_inv_sqrt[col]
    out = jnp.zeros_like(x).at[row].add(x[col] * norm[:, None])
    h_new = _gru_cell(out, h_prev, W_ih, W_hh, b_ih, b_hh)
    return (out, h_new)

if __name__ == "__main__":
    import jax
    _d = setup_inputs()
    print(jax.jit(kernel)(*tuple(_d.values())))

</pallas_src>

<mosaic_0001>
#map = affine_map<(d0, d1) -> (0)>
#map1 = affine_map<(d0, d1) -> (0, 0)>
module attributes {stable_mosaic.version = 14 : i64} {
  func.func @_deg_kernel(%arg0: i32, %arg1: i32, %arg2: memref<320000xi32, #tpu.memory_space<hbm>>, %arg3: memref<32x10240xf32, #tpu.memory_space<hbm>>, %arg4: memref<10000xi32, #tpu.memory_space<vmem>>, %arg5: memref<10240xf32, #tpu.memory_space<vmem>>, %arg6: memref<!tpu.dma_semaphore, #tpu.memory_space<semaphore_mem>>) attributes {dimension_semantics = [#tpu.dimension_semantics<core_parallel>, #tpu.dimension_semantics<subcore_parallel>], iteration_bounds = array<i64: 2, 16>, scalar_prefetch = 0 : i64, scratch_operands = 3 : i64, tpu.core_type = #tpu.core_type<sc_vector_subcore>, window_params = [{transform_indices = #map}, {transform_indices = #map1}]} {
    %mul3A = arith.constant 2 : i32
    %mul3A_0 = arith.muli %arg1, %mul3A : i32
    %add3A = arith.addi %mul3A_0, %arg0 : i32
    %mul3A_1 = arith.constant 10000 : i32
    %mul3A_2 = arith.muli %add3A, %mul3A_1 : i32
    %dma_start3A = tpu.memref_slice %arg2[%mul3A_2] : memref<320000xi32, #tpu.memory_space<hbm>> -> memref<10000xi32, #tpu.memory_space<hbm>>
    %dma_start3A_3 = tpu.memref_slice %arg2[%mul3A_2] : memref<320000xi32, #tpu.memory_space<hbm>> -> memref<10000xi32, #tpu.memory_space<hbm>>
    tpu.enqueue_dma source(%dma_start3A_3 : memref<10000xi32, #tpu.memory_space<hbm>>) target(%arg4 : memref<10000xi32, #tpu.memory_space<vmem>>) target_semaphore(%arg6 : memref<!tpu.dma_semaphore, #tpu.memory_space<semaphore_mem>>)
    %dma_wait3A = tpu.memref_slice %arg2[%mul3A_2] : memref<320000xi32, #tpu.memory_space<hbm>> -> memref<10000xi32, #tpu.memory_space<hbm>>
    %dma_wait3A_4 = tpu.memref_slice %arg2[%mul3A_2] : memref<320000xi32, #tpu.memory_space<hbm>> -> memref<10000xi32, #tpu.memory_space<hbm>>
    tpu.wait_dma2 semaphore(%arg6 : memref<!tpu.dma_semaphore, #tpu.memory_space<semaphore_mem>>) src(%dma_wait3A_4 : memref<10000xi32, #tpu.memory_space<hbm>>) dst(%arg4 : memref<10000xi32, #tpu.memory_space<vmem>>)
    %scan3A = arith.constant 0 : i32
    %scan3A_5 = arith.constant 640 : i32
    %scan3A_6 = arith.addi %scan3A, %scan3A_5 : i32
    %scan3A_7 = arith.constant 1 : i32
    scf.for %scan3A_27 = %scan3A to %scan3A_6 step %scan3A_7  : i32 {
      %mul3A_28 = arith.constant 16 : i32
      %mul3A_29 = arith.muli %scan3A_27, %mul3A_28 : i32
      %add3A_30 = arith.constant 0 : i32
      %add3A_31 = arith.addi %add3A_30, %mul3A_29 : i32
      %broadcast_in_dim3A_32 = arith.constant 0.000000e+00 : f32
      %broadcast_in_dim3A_33 = vector.broadcast %broadcast_in_dim3A_32 : f32 to vector<16xf32>
      %swap3A = arith.index_cast %add3A_31 : i32 to index
      %swap3A_34 = tpu.vector_load %arg5[%swap3A] {strides = array<i32>} : memref<10240xf32, #tpu.memory_space<vmem>>, vector<16xf32>,
      tpu.vector_store %arg5[%swap3A], %broadcast_in_dim3A_33 {strides = array<i32>} : memref<10240xf32, #tpu.memory_space<vmem>>, vector<16xf32>,
    }
    %scan3A_8 = arith.constant 640 : i32
    %broadcast_in_dim3A = arith.constant 1.000000e+00 : f32
    %broadcast_in_dim3A_9 = vector.broadcast %broadcast_in_dim3A : f32 to vector<16xf32>
    %scan3A_10 = arith.constant 0 : i32
    %scan3A_11 = arith.constant 625 : i32
    %scan3A_12 = arith.addi %scan3A_10, %scan3A_11 : i32
    %scan3A_13 = arith.constant 1 : i32
    scf.for %scan3A_27 = %scan3A_10 to %scan3A_12 step %scan3A_13  : i32 {
      %mul3A_28 = arith.constant 16 : i32
      %mul3A_29 = arith.muli %scan3A_27, %mul3A_28 : i32
      %add3A_30 = arith.constant 0 : i32
      %add3A_31 = arith.addi %add3A_30, %mul3A_29 : i32
      %get3A = arith.index_cast %add3A_31 : i32 to index
      %get3A_32 = tpu.vector_load %arg4[%get3A] {strides = array<i32>} : memref<10000xi32, #tpu.memory_space<vmem>>, vector<16xi32>,
      tpu.vector_store_idx %arg5[%get3A_32], %broadcast_in_dim3A_9 {add = true} : memref<10240xf32, #tpu.memory_space<vmem>>[vector<16xi32>], vector<16xf32>,
    }
    %scan3A_14 = arith.constant 625 : i32
    %dma_start3A_15 = arith.constant 0 : i32
    %dma_start3A_16 = tpu.memref_slice %arg3[%add3A, %dma_start3A_15] : memref<32x10240xf32, #tpu.memory_space<hbm>> -> memref<1x10240xf32, #tpu.memory_space<hbm>>
    %dma_start3A_17 = tpu.memref_squeeze %dma_start3A_16 : memref<1x10240xf32, #tpu.memory_space<hbm>> -> memref<10240xf32, #tpu.memory_space<hbm>>
    %dma_start3A_18 = arith.constant 0 : i32
    %dma_start3A_19 = tpu.memref_slice %arg3[%add3A, %dma_start3A_18] : memref<32x10240xf32, #tpu.memory_space<hbm>> -> memref<1x10240xf32, #tpu.memory_space<hbm>>
    %dma_start3A_20 = tpu.memref_squeeze %dma_start3A_19 : memref<1x10240xf32, #tpu.memory_space<hbm>> -> memref<10240xf32, #tpu.memory_space<hbm>>
    tpu.enqueue_dma source(%arg5 : memref<10240xf32, #tpu.memory_space<vmem>>) target(%dma_start3A_20 : memref<10240xf32, #tpu.memory_space<hbm>>) target_semaphore(%arg6 : memref<!tpu.dma_semaphore, #tpu.memory_space<semaphore_mem>>)
    %dma_wait3A_21 = arith.constant 0 : i32
    %dma_wait3A_22 = tpu.memref_slice %arg3[%add3A, %dma_wait3A_21] : memref<32x10240xf32, #tpu.memory_space<hbm>> -> memref<1x10240xf32, #tpu.memory_space<hbm>>
    %dma_wait3A_23 = tpu.memref_squeeze %dma_wait3A_22 : memref<1x10240xf32, #tpu.memory_space<hbm>> -> memref<10240xf32, #tpu.memory_space<hbm>>
    %dma_wait3A_24 = arith.constant 0 : i32
    %dma_wait3A_25 = tpu.memref_slice %arg3[%add3A, %dma_wait3A_24] : memref<32x10240xf32, #tpu.memory_space<hbm>> -> memref<1x10240xf32, #tpu.memory_space<hbm>>
    %dma_wait3A_26 = tpu.memref_squeeze %dma_wait3A_25 : memref<1x10240xf32, #tpu.memory_space<hbm>> -> memref<10240xf32, #tpu.memory_space<hbm>>
    tpu.wait_dma2 semaphore(%arg6 : memref<!tpu.dma_semaphore, #tpu.memory_space<semaphore_mem>>) src(%arg5 : memref<10240xf32, #tpu.memory_space<vmem>>) dst(%dma_wait3A_26 : memref<10240xf32, #tpu.memory_space<hbm>>)
    return
  }
}

#map = affine_map<(d0, d1) -> (0, 0)>
#map1 = affine_map<(d0, d1) -> (0, 0, 0)>
#map2 = affine_map<(d0, d1) -> (0, 0, 0, 0)>
module attributes {stable_mosaic.version = 14 : i64} {
  func.func @_gs_kernel(%arg0: i32, %arg1: i32, %arg2: memref<20000x128xf32, #tpu.memory_space<hbm>>, %arg3: memref<16x160x128xi32, #tpu.memory_space<hbm>>, %arg4: memref<2x16x160x128xi32, #tpu.memory_space<hbm>>, %arg5: memref<10112x128xf32, #tpu.memory_space<hbm>>, %arg6: memref<2x10112x128xf32, #tpu.memory_space<hbm>>, %arg7: memref<10112x128xf32, #tpu.memory_space<vmem_shared>>, %arg8: memref<16x128xi32, #tpu.memory_space<vmem>>, %arg9: memref<16x128xi32, #tpu.memory_space<vmem>>, %arg10: memref<128x128xf32, #tpu.memory_space<vmem>>, %arg11: memref<!tpu.dma_semaphore, #tpu.memory_space<semaphore_mem>>, %arg12: memref<!tpu.dma_semaphore, #tpu.memory_space<semaphore_mem>>) attributes {dimension_semantics = [#tpu.dimension_semantics<core_parallel>, #tpu.dimension_semantics<subcore_parallel>], iteration_bounds = array<i64: 2, 16>, scalar_prefetch = 0 : i64, scratch_operands = 6 : i64, tpu.core_type = #tpu.core_type<sc_vector_subcore>, window_params = [{transform_indices = #map}, {transform_indices = #map1}, {transform_indices = #map2}, {transform_indices = #map}, {transform_indices = #map1}]} {
    %mul3A = arith.constant 632 : i32
    %mul3A_0 = arith.muli %arg1, %mul3A : i32
    %mul3A_1 = arith.constant 632 : i32
    %mul3A_2 = arith.muli %arg1, %mul3A_1 : i32
    %dma_start3A = arith.constant 0 : i32
    %dma_start3A_3 = tpu.memref_slice %arg7[%mul3A_2, %dma_start3A] : memref<10112x128xf32, #tpu.memory_space<vmem_shared>> -> memref<632x128xf32, #tpu.memory_space<vmem_shared>>
    %dma_start3A_4 = arith.constant 0 : i32
    %dma_start3A_5 = tpu.memref_slice %arg5[%mul3A_0, %dma_start3A_4] : memref<10112x128xf32, #tpu.memory_space<hbm>> -> memref<632x128xf32, #tpu.memory_space<hbm>>
    tpu.enqueue_dma source(%dma_start3A_5 : memref<632x128xf32, #tpu.memory_space<hbm>>) target(%dma_start3A_3 : memref<632x128xf32, #tpu.memory_space<vmem_shared>>) target_semaphore(%arg11 : memref<!tpu.dma_semaphore, #tpu.memory_space<semaphore_mem>>)
    %dma_wait3A = arith.constant 0 : i32
    %dma_wait3A_6 = tpu.memref_slice %arg7[%mul3A_2, %dma_wait3A] : memref<10112x128xf32, #tpu.memory_space<vmem_shared>> -> memref<632x128xf32, #tpu.memory_space<vmem_shared>>
    %dma_wait3A_7 = arith.constant 0 : i32
    %dma_wait3A_8 = tpu.memref_slice %arg5[%mul3A_0, %dma_wait3A_7] : memref<10112x128xf32, #tpu.memory_space<hbm>> -> memref<632x128xf32, #tpu.memory_space<hbm>>
    tpu.wait_dma2 semaphore(%arg11 : memref<!tpu.dma_semaphore, #tpu.memory_space<semaphore_mem>>) src(%dma_wait3A_8 : memref<632x128xf32, #tpu.memory_space<hbm>>) dst(%dma_wait3A_6 : memref<632x128xf32, #tpu.memory_space<vmem_shared>>)
    %barrier3A = arith.constant 0 : index
    tpu.barrier barrier_id(%barrier3A)
    %scan3A = arith.constant 0 : i32
    %scan3A_9 = arith.constant 10 : i32
    %scan3A_10 = arith.addi %scan3A, %scan3A_9 : i32
    %scan3A_11 = arith.constant 1 : i32
    scf.for %scan3A_28 = %scan3A to %scan3A_10 step %scan3A_11  : i32 {
      %mul3A_29 = arith.constant 1 : i32
      %mul3A_30 = arith.muli %scan3A_28, %mul3A_29 : i32
      %add3A = arith.constant 0 : i32
      %add3A_31 = arith.addi %add3A, %mul3A_30 : i32
      %mul3A_32 = arith.constant 16 : i32
      %mul3A_33 = arith.muli %add3A_31, %mul3A_32 : i32
      %dma_start3A_34 = arith.constant 0 : i32
      %dma_start3A_35 = tpu.memref_slice %arg3[%arg1, %mul3A_33, %dma_start3A_34] : memref<16x160x128xi32, #tpu.memory_space<hbm>> -> memref<1x16x128xi32, #tpu.memory_space<hbm>>
      %dma_start3A_36 = tpu.memref_squeeze %dma_start3A_35 : memref<1x16x128xi32, #tpu.memory_space<hbm>> -> memref<16x128xi32, #tpu.memory_space<hbm>>
      %dma_start3A_37 = arith.constant 0 : i32
      %dma_start3A_38 = tpu.memref_slice %arg3[%arg1, %mul3A_33, %dma_start3A_37] : memref<16x160x128xi32, #tpu.memory_space<hbm>> -> memref<1x16x128xi32, #tpu.memory_space<hbm>>
      %dma_start3A_39 = tpu.memref_squeeze %dma_start3A_38 : memref<1x16x128xi32, #tpu.memory_space<hbm>> -> memref<16x128xi32, #tpu.memory_space<hbm>>
      tpu.enqueue_dma source(%dma_start3A_39 : memref<16x128xi32, #tpu.memory_space<hbm>>) target(%arg8 : memref<16x128xi32, #tpu.memory_space<vmem>>) target_semaphore(%arg11 : memref<!tpu.dma_semaphore, #tpu.memory_space<semaphore_mem>>)
      %dma_wait3A_40 = arith.constant 0 : i32
      %dma_wait3A_41 = tpu.memref_slice %arg3[%arg1, %mul3A_33, %dma_wait3A_40] : memref<16x160x128xi32, #tpu.memory_space<hbm>> -> memref<1x16x128xi32, #tpu.memory_space<hbm>>
      %dma_wait3A_42 = tpu.memref_squeeze %dma_wait3A_41 : memref<1x16x128xi32, #tpu.memory_space<hbm>> -> memref<16x128xi32, #tpu.memory_space<hbm>>
      %dma_wait3A_43 = arith.constant 0 : i32
      %dma_wait3A_44 = tpu.memref_slice %arg3[%arg1, %mul3A_33, %dma_wait3A_43] : memref<16x160x128xi32, #tpu.memory_space<hbm>> -> memref<1x16x128xi32, #tpu.memory_space<hbm>>
      %dma_wait3A_45 = tpu.memref_squeeze %dma_wait3A_44 : memref<1x16x128xi32, #tpu.memory_space<hbm>> -> memref<16x128xi32, #tpu.memory_space<hbm>>
      tpu.wait_dma2 semaphore(%arg11 : memref<!tpu.dma_semaphore, #tpu.memory_space<semaphore_mem>>) src(%dma_wait3A_45 : memref<16x128xi32, #tpu.memory_space<hbm>>) dst(%arg8 : memref<16x128xi32, #tpu.memory_space<vmem>>)
      %mul3A_46 = arith.constant 16 : i32
      %mul3A_47 = arith.muli %add3A_31, %mul3A_46 : i32
      %dma_start3A_48 = arith.constant 0 : i32
      %dma_start3A_49 = tpu.memref_slice %arg4[%arg0, %arg1, %mul3A_47, %dma_start3A_48] : memref<2x16x160x128xi32, #tpu.memory_space<hbm>> -> memref<1x1x16x128xi32, #tpu.memory_space<hbm>>
      %dma_start3A_50 = tpu.memref_squeeze %dma_start3A_49 : memref<1x1x16x128xi32, #tpu.memory_space<hbm>> -> memref<16x128xi32, #tpu.memory_space<hbm>>
      %dma_start3A_51 = arith.constant 0 : i32
      %dma_start3A_52 = tpu.memref_slice %arg4[%arg0, %arg1, %mul3A_47, %dma_start3A_51] : memref<2x16x160x128xi32, #tpu.memory_space<hbm>> -> memref<1x1x16x128xi32, #tpu.memory_space<hbm>>
      %dma_start3A_53 = tpu.memref_squeeze %dma_start3A_52 : memref<1x1x16x128xi32, #tpu.memory_space<hbm>> -> memref<16x128xi32, #tpu.memory_space<hbm>>
      tpu.enqueue_dma source(%dma_start3A_53 : memref<16x128xi32, #tpu.memory_space<hbm>>) target(%arg9 : memref<16x128xi32, #tpu.memory_space<vmem>>) target_semaphore(%arg11 : memref<!tpu.dma_semaphore, #tpu.memory_space<semaphore_mem>>)
      %dma_wait3A_54 = arith.constant 0 : i32
      %dma_wait3A_55 = tpu.memref_slice %arg4[%arg0, %arg1, %mul3A_47, %dma_wait3A_54] : memref<2x16x160x128xi32, #tpu.memory_space<hbm>> -> memref<1x1x16x128xi32, #tpu.memory_space<hbm>>
      %dma_wait3A_56 = tpu.memref_squeeze %dma_wait3A_55 : memref<1x1x16x128xi32, #tpu.memory_space<hbm>> -> memref<16x128xi32, #tpu.memory_space<hbm>>
      %dma_wait3A_57 = arith.constant 0 : i32
      %dma_wait3A_58 = tpu.memref_slice %arg4[%arg0, %arg1, %mul3A_47, %dma_wait3A_57] : memref<2x16x160x128xi32, #tpu.memory_space<hbm>> -> memref<1x1x16x128xi32, #tpu.memory_space<hbm>>
      %dma_wait3A_59 = tpu.memref_squeeze %dma_wait3A_58 : memref<1x1x16x128xi32, #tpu.memory_space<hbm>> -> memref<16x128xi32, #tpu.memory_space<hbm>>
      tpu.wait_dma2 semaphore(%arg11 : memref<!tpu.dma_semaphore, #tpu.memory_space<semaphore_mem>>) src(%dma_wait3A_59 : memref<16x128xi32, #tpu.memory_space<hbm>>) dst(%arg9 : memref<16x128xi32, #tpu.memory_space<vmem>>)
      %scan3A_60 = arith.constant 0 : i32
      %scan3A_61 = arith.constant 16 : i32
      %scan3A_62 = arith.addi %scan3A_60, %scan3A_61 : i32
      %scan3A_63 = arith.constant 1 : i32
      scf.for %scan3A_65 = %scan3A_60 to %scan3A_62 step %scan3A_63  : i32 {
        %mul3A_66 = arith.constant 1 : i32
        %mul3A_67 = arith.muli %scan3A_65, %mul3A_66 : i32
        %add3A_68 = arith.constant 0 : i32
        %add3A_69 = arith.addi %add3A_68, %mul3A_67 : i32
        %dma_start3A_70 = arith.constant 0 : i32
        %dma_start3A_71 = tpu.memref_slice %arg9[%add3A_69, %dma_start3A_70] : memref<16x128xi32, #tpu.memory_space<vmem>> -> memref<1x128xi32, #tpu.memory_space<vmem>>
        %dma_start3A_72 = tpu.memref_squeeze %dma_start3A_71 : memref<1x128xi32, #tpu.memory_space<vmem>> -> memref<128xi32, #tpu.memory_space<vmem>>
        %dma_start3A_73 = arith.constant 0 : i32
        %dma_start3A_74 = arith.constant 0 : i32
        %dma_start3A_75 = tpu.memref_slice %arg2[%dma_start3A_73, %dma_start3A_74] : memref<20000x128xf32, #tpu.memory_space<hbm>> -> memref<20000x128xf32, #tpu.memory_space<hbm>>
        tpu.enqueue_indirect_dma source(%dma_start3A_75 : memref<20000x128xf32, #tpu.memory_space<hbm>>) target(%arg10 : memref<128x128xf32, #tpu.memory_space<vmem>>) offsets(%dma_start3A_72 : memref<128xi32, #tpu.memory_space<vmem>>) semaphore(%arg12 : memref<!tpu.dma_semaphore, #tpu.memory_space<semaphore_mem>>)
        %dma_wait3A_76 = arith.constant 0 : i32
        %dma_wait3A_77 = tpu.memref_slice %arg9[%add3A_69, %dma_wait3A_76] : memref<16x128xi32, #tpu.memory_space<vmem>> -> memref<1x128xi32, #tpu.memory_space<vmem>>
        %dma_wait3A_78 = tpu.memref_squeeze %dma_wait3A_77 : memref<1x128xi32, #tpu.memory_space<vmem>> -> memref<128xi32, #tpu.memory_space<vmem>>
        %dma_wait3A_79 = arith.constant 0 : i32
        %dma_wait3A_80 = arith.constant 0 : i32
        %dma_wait3A_81 = tpu.memref_slice %arg2[%dma_wait3A_79, %dma_wait3A_80] : memref<20000x128xf32, #tpu.memory_space<hbm>> -> memref<20000x128xf32, #tpu.memory_space<hbm>>
        tpu.wait_indirect_dma semaphore(%arg12 : memref<!tpu.dma_semaphore, #tpu.memory_space<semaphore_mem>>) src(%dma_wait3A_81 : memref<20000x128xf32, #tpu.memory_space<hbm>>) dst(%arg10 : memref<128x128xf32, #tpu.memory_space<vmem>>)
        "tpu.region"() ({
          %run_scoped3A = tpu.sem_alloc : memref<!tpu.dma_semaphore, #tpu.memory_space<semaphore_mem>>
          %dma_start3A_82 = arith.constant 0 : i32
          %dma_start3A_83 = tpu.memref_slice %arg8[%add3A_69, %dma_start3A_82] : memref<16x128xi32, #tpu.memory_space<vmem>> -> memref<1x128xi32, #tpu.memory_space<vmem>>
          %dma_start3A_84 = tpu.memref_squeeze %dma_start3A_83 : memref<1x128xi32, #tpu.memory_space<vmem>> -> memref<128xi32, #tpu.memory_space<vmem>>
          %dma_start3A_85 = arith.constant 0 : i32
          %dma_start3A_86 = arith.constant 0 : i32
          %dma_start3A_87 = tpu.memref_slice %arg7[%dma_start3A_85, %dma_start3A_86] : memref<10112x128xf32, #tpu.memory_space<vmem_shared>> -> memref<10112x128xf32, #tpu.memory_space<vmem_shared>>
          tpu.enqueue_indirect_dma source(%arg10 : memref<128x128xf32, #tpu.memory_space<vmem>>) target(%dma_start3A_87 : memref<10112x128xf32, #tpu.memory_space<vmem_shared>>) offsets(%dma_start3A_84 : memref<128xi32, #tpu.memory_space<vmem>>) semaphore(%run_scoped3A : memref<!tpu.dma_semaphore, #tpu.memory_space<semaphore_mem>>) {add = true}
          %dma_wait3A_88 = arith.constant 0 : i32
          %dma_wait3A_89 = tpu.memref_slice %arg8[%add3A_69, %dma_wait3A_88] : memref<16x128xi32, #tpu.memory_space<vmem>> -> memref<1x128xi32, #tpu.memory_space<vmem>>
          %dma_wait3A_90 = tpu.memref_squeeze %dma_wait3A_89 : memref<1x128xi32, #tpu.memory_space<vmem>> -> memref<128xi32, #tpu.memory_space<vmem>>
          %dma_wait3A_91 = arith.constant 0 : i32
          %dma_wait3A_92 = arith.constant 0 : i32
          %dma_wait3A_93 = tpu.memref_slice %arg7[%dma_wait3A_91, %dma_wait3A_92] : memref<10112x128xf32, #tpu.memory_space<vmem_shared>> -> memref<10112x128xf32, #tpu.memory_space<vmem_shared>>
          tpu.wait_indirect_dma semaphore(%run_scoped3A : memref<!tpu.dma_semaphore, #tpu.memory_space<semaphore_mem>>) src(%arg10 : memref<128x128xf32, #tpu.memory_space<vmem>>) dst(%dma_wait3A_93 : memref<10112x128xf32, #tpu.memory_space<vmem_shared>>)
          tpu.yield
        }) : () -> ()
      }
      %scan3A_64 = arith.constant 16 : i32
    }
    %scan3A_12 = arith.constant 10 : i32
    %barrier3A_13 = arith.constant 0 : index
    tpu.barrier barrier_id(%barrier3A_13)
    %mul3A_14 = arith.constant 632 : i32
    %mul3A_15 = arith.muli %arg1, %mul3A_14 : i32
    %mul3A_16 = arith.constant 632 : i32
    %mul3A_17 = arith.muli %arg1, %mul3A_16 : i32
    %dma_start3A_18 = arith.constant 0 : i32
    %dma_start3A_19 = tpu.memref_slice %arg6[%arg0, %mul3A_17, %dma_start3A_18] : memref<2x10112x128xf32, #tpu.memory_space<hbm>> -> memref<1x632x128xf32, #tpu.memory_space<hbm>>
    %dma_start3A_20 = tpu.memref_squeeze %dma_start3A_19 : memref<1x632x128xf32, #tpu.memory_space<hbm>> -> memref<632x128xf32, #tpu.memory_space<hbm>>
    %dma_start3A_21 = arith.constant 0 : i32
    %dma_start3A_22 = tpu.memref_slice %arg7[%mul3A_15, %dma_start3A_21] : memref<10112x128xf32, #tpu.memory_space<vmem_shared>> -> memref<632x128xf32, #tpu.memory_space<vmem_shared>>
    tpu.enqueue_dma source(%dma_start3A_22 : memref<632x128xf32, #tpu.memory_space<vmem_shared>>) target(%dma_start3A_20 : memref<632x128xf32, #tpu.memory_space<hbm>>) target_semaphore(%arg11 : memref<!tpu.dma_semaphore, #tpu.memory_space<semaphore_mem>>)
    %dma_wait3A_23 = arith.constant 0 : i32
    %dma_wait3A_24 = tpu.memref_slice %arg6[%arg0, %mul3A_17, %dma_wait3A_23] : memref<2x10112x128xf32, #tpu.memory_space<hbm>> -> memref<1x632x128xf32, #tpu.memory_space<hbm>>
    %dma_wait3A_25 = tpu.memref_squeeze %dma_wait3A_24 : memref<1x632x128xf32, #tpu.memory_space<hbm>> -> memref<632x128xf32, #tpu.memory_space<hbm>>
    %dma_wait3A_26 = arith.constant 0 : i32
    %dma_wait3A_27 = tpu.memref_slice %arg7[%mul3A_15, %dma_wait3A_26] : memref<10112x128xf32, #tpu.memory_space<vmem_shared>> -> memref<632x128xf32, #tpu.memory_space<vmem_shared>>
    tpu.wait_dma2 semaphore(%arg11 : memref<!tpu.dma_semaphore, #tpu.memory_space<semaphore_mem>>) src(%dma_wait3A_27 : memref<632x128xf32, #tpu.memory_space<vmem_shared>>) dst(%dma_wait3A_25 : memref<632x128xf32, #tpu.memory_space<hbm>>)
    return
  }
}

module attributes {stable_mosaic.version = 14 : i64} {
  func.func @_k0_body(%arg0: memref<32x10240xf32, #tpu.memory_space<vmem>>, %arg1: memref<10240xf32, #tpu.memory_space<vmem>>) attributes {dimension_semantics = [], scalar_prefetch = 0 : i64, scratch_operands = 0 : i64, tpu.core_type = #tpu.core_type<tc>} {
    %get3A = arith.constant 0 : index
    %get3A_0 = arith.constant 0 : index
    %get3A_1 = vector.load %arg0[%get3A, %get3A_0] : memref<32x10240xf32, #tpu.memory_space<vmem>>, vector<32x10240xf32>
    %reduce_sum3A = arith.constant dense<0.000000e+00> : vector<10240xf32>
    %reduce_sum3A_2 = vector.multi_reduction <add>, %get3A_1, %reduce_sum3A [0] : vector<32x10240xf32> to vector<10240xf32>
    %gt3A = arith.constant 0.000000e+00 : f32
    %gt3A_3 = vector.broadcast %gt3A : f32 to vector<10240xf32>
    %gt3A_4 = arith.cmpf ogt, %reduce_sum3A_2, %gt3A_3 : vector<10240xf32>
    %rsqrt3A = math.rsqrt %reduce_sum3A_2 : vector<10240xf32>
    %jit3A = arith.constant 0.000000e+00 : f32
    %broadcast_in_dim3A = vector.broadcast %jit3A : f32 to vector<10240xf32>
    %select_n3A = arith.select %gt3A_4, %rsqrt3A, %broadcast_in_dim3A : vector<10240xi1>, vector<10240xf32>
    %swap3A = arith.constant 0 : index
    %swap3A_5 = vector.load %arg1[%swap3A] : memref<10240xf32, #tpu.memory_space<vmem>>, vector<10240xf32>
    tpu.vector_store %arg1[%swap3A], %select_n3A {strides = array<i32>} : memref<10240xf32, #tpu.memory_space<vmem>>, vector<10240xf32>,
    return
  }
}

module attributes {stable_mosaic.version = 14 : i64} {
  func.func @_b_body(%arg0: i32, %arg1: i32, %arg2: memref<1000x256xf32, #tpu.memory_space<vmem>>, %arg3: memref<256x128xf32, #tpu.memory_space<vmem>>, %arg4: memref<1x128xf32, #tpu.memory_space<vmem>>, %arg5: memref<1000x1xf32, #tpu.memory_space<vmem>>, %arg6: memref<1000x128xf32, #tpu.memory_space<vmem>>) attributes {dimension_semantics = [#tpu.dimension_semantics<arbitrary>, #tpu.dimension_semantics<arbitrary>], iteration_bounds = array<i64: 2, 10>, scalar_prefetch = 0 : i64, scratch_operands = 0 : i64, tpu.core_type = #tpu.core_type<tc>, window_params = [{transform_indices = @transform_0, window_bounds = array<i64: 1000, 256>}, {transform_indices = @transform_1, window_bounds = array<i64: 256, 128>}, {transform_indices = @transform_2, window_bounds = array<i64: 1, 128>}, {transform_indices = @transform_3, window_bounds = array<i64: 1000, 1>}, {transform_indices = @transform_4, window_bounds = array<i64: 1000, 128>}]} {
    %get3A = arith.constant 0 : index
    %get3A_0 = arith.constant 0 : index
    %get3A_1 = vector.load %arg2[%get3A, %get3A_0] : memref<1000x256xf32, #tpu.memory_space<vmem>>, vector<1000x256xf32>
    %get3A_2 = arith.constant 0 : index
    %get3A_3 = arith.constant 0 : index
    %get3A_4 = vector.load %arg3[%get3A_2, %get3A_3] : memref<256x128xf32, #tpu.memory_space<vmem>>, vector<256x128xf32>
    %dot_general3A = arith.constant dense<0.000000e+00> : vector<1000x128xf32>
    %dot_general3A_5 = tpu.matmul %get3A_1, %get3A_4, %dot_general3A {dimension_numbers = #tpu.dot_dimension_numbers<[1], [0], [0], [1], [0, 0, 1, 1], [], []>, transpose_lhs_hint = false} : vector<1000x256xf32>, vector<256x128xf32>, vector<1000x128xf32> -> vector<1000x128xf32>
    %get3A_6 = arith.constant 0 : index
    %get3A_7 = arith.constant 0 : index
    %get3A_8 = vector.load %arg4[%get3A_6, %get3A_7] : memref<1x128xf32, #tpu.memory_space<vmem>>, vector<1x128xf32>
    %add3A = vector.broadcast %get3A_8 : vector<1x128xf32> to vector<1000x128xf32>
    %add3A_9 = arith.addf %dot_general3A_5, %add3A : vector<1000x128xf32>
    %max3A = arith.constant 0.000000e+00 : f32
    %max3A_10 = vector.broadcast %max3A : f32 to vector<1000x128xf32>
    %max3A_11 = arith.maximumf %add3A_9, %max3A_10 : vector<1000x128xf32>
    %get3A_12 = arith.constant 0 : index
    %get3A_13 = arith.constant 0 : index
    %get3A_14 = vector.load %arg5[%get3A_12, %get3A_13] : memref<1000x1xf32, #tpu.memory_space<vmem>>, vector<1000x1xf32>
    %mul3A = vector.broadcast %get3A_14 : vector<1000x1xf32> to vector<1000x128xf32>
    %mul3A_15 = arith.mulf %max3A_11, %mul3A : vector<1000x128xf32>
    %swap3A = arith.constant 0 : index
    %swap3A_16 = arith.constant 0 : index
    %swap3A_17 = vector.load %arg6[%swap3A, %swap3A_16] : memref<1000x128xf32, #tpu.memory_space<vmem>>, vector<1000x128xf32>
    tpu.vector_store %arg6[%swap3A, %swap3A_16], %mul3A_15 {strides = array<i32>} : memref<1000x128xf32, #tpu.memory_space<vmem>>, vector<1000x128xf32>,
    return
  }
  func.func @transform_0(%arg0: i32, %arg1: i32) -> (i32, i32) {
    %c0_i32 = arith.constant 0 : i32
    %c0_i32_0 = arith.constant 0 : i32
    return %arg1, %c0_i32 : i32, i32
  }
  func.func @transform_1(%arg0: i32, %arg1: i32) -> (i32, i32) {
    %c0_i32 = arith.constant 0 : i32
    %c0_i32_0 = arith.constant 0 : i32
    return %c0_i32, %arg0 : i32, i32
  }
  func.func @transform_2(%arg0: i32, %arg1: i32) -> (i32, i32) {
    %c0_i32 = arith.constant 0 : i32
    %c0_i32_0 = arith.constant 0 : i32
    return %c0_i32, %arg0 : i32, i32
  }
  func.func @transform_3(%arg0: i32, %arg1: i32) -> (i32, i32) {
    %c0_i32 = arith.constant 0 : i32
    %c0_i32_0 = arith.constant 0 : i32
    return %arg1, %c0_i32 : i32, i32
  }
  func.func @transform_4(%arg0: i32, %arg1: i32) -> (i32, i32) {
    %mul3A = arith.constant 10 : i32
    %mul3A_0 = arith.muli %arg0, %mul3A : i32
    %add3A = arith.addi %mul3A_0, %arg1 : i32
    %c0_i32 = arith.constant 0 : i32
    %c0_i32_1 = arith.constant 0 : i32
    return %add3A, %c0_i32 : i32, i32
  }
}

module attributes {stable_mosaic.version = 14 : i64} {
  func.func @_d_body(%arg0: i32, %arg1: memref<2x1000x128xf32, #tpu.memory_space<vmem>>, %arg2: memref<1000x1xf32, #tpu.memory_space<vmem>>, %arg3: memref<1000x256xf32, #tpu.memory_space<vmem>>, %arg4: memref<256x768xf32, #tpu.memory_space<vmem>>, %arg5: memref<256x768xf32, #tpu.memory_space<vmem>>, %arg6: memref<1x768xf32, #tpu.memory_space<vmem>>, %arg7: memref<1x768xf32, #tpu.memory_space<vmem>>, %arg8: memref<1000x256xf32, #tpu.memory_space<vmem>>, %arg9: memref<1000x256xf32, #tpu.memory_space<vmem>>) attributes {dimension_semantics = [#tpu.dimension_semantics<arbitrary>], iteration_bounds = array<i64: 10>, scalar_prefetch = 0 : i64, scratch_operands = 0 : i64, tpu.core_type = #tpu.core_type<tc>, window_params = [{transform_indices = @transform_0, window_bounds = array<i64: 2, 1000, 128>}, {transform_indices = @transform_1, window_bounds = array<i64: 1000, 1>}, {transform_indices = @transform_2, window_bounds = array<i64: 1000, 256>}, {pipeline_mode = #tpu.pipeline_mode<synchronous>, transform_indices = @transform_3, window_bounds = array<i64: 256, 768>}, {pipeline_mode = #tpu.pipeline_mode<synchronous>, transform_indices = @transform_4, window_bounds = array<i64: 256, 768>}, {pipeline_mode = #tpu.pipeline_mode<synchronous>, transform_indices = @transform_5, window_bounds = array<i64: 1, 768>}, {pipeline_mode = #tpu.pipeline_mode<synchronous>, transform_indices = @transform_6, window_bounds = array<i64: 1, 768>}, {transform_indices = @transform_7, window_bounds = array<i64: 1000, 256>}, {transform_indices = @transform_8, window_bounds = array<i64: 1000, 256>}]} {
    %get3A = arith.constant 0 : index
    %get3A_0 = arith.constant 0 : index
    %get3A_1 = arith.constant 0 : index
    %get3A_2 = vector.load %arg1[%get3A, %get3A_0, %get3A_1] : memref<2x1000x128xf32, #tpu.memory_space<vmem>>, vector<1x1000x128xf32>
    %get3A_3 = vector.shape_cast %get3A_2 : vector<1x1000x128xf32> to vector<1000x128xf32>
    %get3A_4 = arith.constant 1 : index
    %get3A_5 = arith.constant 0 : index
    %get3A_6 = arith.constant 0 : index
    %get3A_7 = vector.load %arg1[%get3A_4, %get3A_5, %get3A_6] : memref<2x1000x128xf32, #tpu.memory_space<vmem>>, vector<1x1000x128xf32>
    %get3A_8 = vector.shape_cast %get3A_7 : vector<1x1000x128xf32> to vector<1000x128xf32>
    %concatenate3A = tpu.concatenate %get3A_3, %get3A_8 in 1 : vector<1000x128xf32>, vector<1000x128xf32> -> vector<1000x256xf32>
    %get3A_9 = arith.constant 0 : index
    %get3A_10 = arith.constant 0 : index
    %get3A_11 = vector.load %arg2[%get3A_9, %get3A_10] : memref<1000x1xf32, #tpu.memory_space<vmem>>, vector<1000x1xf32>
    %mul3A = vector.broadcast %get3A_11 : vector<1000x1xf32> to vector<1000x256xf32>
    %mul3A_12 = arith.mulf %concatenate3A, %mul3A : vector<1000x256xf32>
    %get3A_13 = arith.constant 0 : index
    %get3A_14 = arith.constant 0 : index
    %get3A_15 = vector.load %arg3[%get3A_13, %get3A_14] : memref<1000x256xf32, #tpu.memory_space<vmem>>, vector<1000x256xf32>
    %get3A_16 = arith.constant 0 : index
    %get3A_17 = arith.constant 0 : index
    %get3A_18 = vector.load %arg4[%get3A_16, %get3A_17] : memref<256x768xf32, #tpu.memory_space<vmem>>, vector<256x768xf32>
    %dot_general3A = arith.constant dense<0.000000e+00> : vector<1000x768xf32>
    %dot_general3A_19 = tpu.matmul %mul3A_12, %get3A_18, %dot_general3A {dimension_numbers = #tpu.dot_dimension_numbers<[1], [0], [0], [1], [0, 0, 1, 1], [], []>, transpose_lhs_hint = false} : vector<1000x256xf32>, vector<256x768xf32>, vector<1000x768xf32> -> vector<1000x768xf32>
    %get3A_20 = arith.constant 0 : index
    %get3A_21 = arith.constant 0 : index
    %get3A_22 = vector.load %arg6[%get3A_20, %get3A_21] : memref<1x768xf32, #tpu.memory_space<vmem>>, vector<1x768xf32>
    %add3A = vector.broadcast %get3A_22 : vector<1x768xf32> to vector<1000x768xf32>
    %add3A_23 = arith.addf %dot_general3A_19, %add3A : vector<1000x768xf32>
    %get3A_24 = arith.constant 0 : index
    %get3A_25 = arith.constant 0 : index
    %get3A_26 = vector.load %arg5[%get3A_24, %get3A_25] : memref<256x768xf32, #tpu.memory_space<vmem>>, vector<256x768xf32>
    %dot_general3A_27 = arith.constant dense<0.000000e+00> : vector<1000x768xf32>
    %dot_general3A_28 = tpu.matmul %get3A_15, %get3A_26, %dot_general3A_27 {dimension_numbers = #tpu.dot_dimension_numbers<[1], [0], [0], [1], [0, 0, 1, 1], [], []>, transpose_lhs_hint = false} : vector<1000x256xf32>, vector<256x768xf32>, vector<1000x768xf32> -> vector<1000x768xf32>
    %get3A_29 = arith.constant 0 : index
    %get3A_30 = arith.constant 0 : index
    %get3A_31 = vector.load %arg7[%get3A_29, %get3A_30] : memref<1x768xf32, #tpu.memory_space<vmem>>, vector<1x768xf32>
    %add3A_32 = vector.broadcast %get3A_31 : vector<1x768xf32> to vector<1000x768xf32>
    %add3A_33 = arith.addf %dot_general3A_28, %add3A_32 : vector<1000x768xf32>
    %slice3A = vector.extract_strided_slice %add3A_23 {offsets = [0, 0], sizes = [1000, 256], strides = [1, 1]} : vector<1000x768xf32> to vector<1000x256xf32>
    %slice3A_34 = vector.extract_strided_slice %add3A_33 {offsets = [0, 0], sizes = [1000, 256], strides = [1, 1]} : vector<1000x768xf32> to vector<1000x256xf32>
    %add3A_35 = arith.addf %slice3A, %slice3A_34 : vector<1000x256xf32>
    %logistic3A = arith.negf %add3A_35 : vector<1000x256xf32>
    %logistic3A_36 = math.exp %logistic3A : vector<1000x256xf32>
    %logistic3A_37 = arith.constant 1.000000e+00 : f32
    %logistic3A_38 = vector.broadcast %logistic3A_37 : f32 to vector<1000x256xf32>
    %logistic3A_39 = arith.addf %logistic3A_38, %logistic3A_36 : vector<1000x256xf32>
    %logistic3A_40 = arith.divf %logistic3A_38, %logistic3A_39 : vector<1000x256xf32>
    %slice3A_41 = vector.extract_strided_slice %add3A_23 {offsets = [0, 256], sizes = [1000, 256], strides = [1, 1]} : vector<1000x768xf32> to vector<1000x256xf32>
    %slice3A_42 = vector.extract_strided_slice %add3A_33 {offsets = [0, 256], sizes = [1000, 256], strides = [1, 1]} : vector<1000x768xf32> to vector<1000x256xf32>
    %add3A_43 = arith.addf %slice3A_41, %slice3A_42 : vector<1000x256xf32>
    %logistic3A_44 = arith.negf %add3A_43 : vector<1000x256xf32>
    %logistic3A_45 = math.exp %logistic3A_44 : vector<1000x256xf32>
    %logistic3A_46 = arith.constant 1.000000e+00 : f32
    %logistic3A_47 = vector.broadcast %logistic3A_46 : f32 to vector<1000x256xf32>
    %logistic3A_48 = arith.addf %logistic3A_47, %logistic3A_45 : vector<1000x256xf32>
    %logistic3A_49 = arith.divf %logistic3A_47, %logistic3A_48 : vector<1000x256xf32>
    %slice3A_50 = vector.extract_strided_slice %add3A_23 {offsets = [0, 512], sizes = [1000, 256], strides = [1, 1]} : vector<1000x768xf32> to vector<1000x256xf32>
    %slice3A_51 = vector.extract_strided_slice %add3A_33 {offsets = [0, 512], sizes = [1000, 256], strides = [1, 1]} : vector<1000x768xf32> to vector<1000x256xf32>
    %mul3A_52 = arith.mulf %logistic3A_40, %slice3A_51 : vector<1000x256xf32>
    %add3A_53 = arith.addf %slice3A_50, %mul3A_52 : vector<1000x256xf32>
    %tanh3A = math.tanh %add3A_53 : vector<1000x256xf32>
    %swap3A = arith.constant 0 : index
    %swap3A_54 = arith.constant 0 : index
    %swap3A_55 = vector.load %arg8[%swap3A, %swap3A_54] : memref<1000x256xf32, #tpu.memory_space<vmem>>, vector<1000x256xf32>
    tpu.vector_store %arg8[%swap3A, %swap3A_54], %mul3A_12 {strides = array<i32>} : memref<1000x256xf32, #tpu.memory_space<vmem>>, vector<1000x256xf32>,
    %sub3A = arith.constant 1.000000e+00 : f32
    %sub3A_56 = vector.broadcast %sub3A : f32 to vector<1000x256xf32>
    %sub3A_57 = arith.subf %sub3A_56, %logistic3A_49 : vector<1000x256xf32>
    %mul3A_58 = arith.mulf %sub3A_57, %tanh3A : vector<1000x256xf32>
    %mul3A_59 = arith.mulf %logistic3A_49, %get3A_15 : vector<1000x256xf32>
    %add3A_60 = arith.addf %mul3A_58, %mul3A_59 : vector<1000x256xf32>
    %swap3A_61 = arith.constant 0 : index
    %swap3A_62 = arith.constant 0 : index
    %swap3A_63 = vector.load %arg9[%swap3A_61, %swap3A_62] : memref<1000x256xf32, #tpu.memory_space<vmem>>, vector<1000x256xf32>
    tpu.vector_store %arg9[%swap3A_61, %swap3A_62], %add3A_60 {strides = array<i32>} : memref<1000x256xf32, #tpu.memory_space<vmem>>, vector<1000x256xf32>,
    return
  }
  func.func @transform_0(%arg0: i32) -> (i32, i32, i32) {
    %c0_i32 = arith.constant 0 : i32
    %c0_i32_0 = arith.constant 0 : i32
    %c0_i32_1 = arith.constant 0 : i32
    return %c0_i32, %arg0, %c0_i32_0 : i32, i32, i32
  }
  func.func @transform_1(%arg0: i32) -> (i32, i32) {
    %c0_i32 = arith.constant 0 : i32
    %c0_i32_0 = arith.constant 0 : i32
    return %arg0, %c0_i32 : i32, i32
  }
  func.func @transform_2(%arg0: i32) -> (i32, i32) {
    %c0_i32 = arith.constant 0 : i32
    %c0_i32_0 = arith.constant 0 : i32
    return %arg0, %c0_i32 : i32, i32
  }
  func.func @transform_3(%arg0: i32) -> (i32, i32) {
    %c0_i32 = arith.constant 0 : i32
    %c0_i32_0 = arith.constant 0 : i32
    %c0_i32_1 = arith.constant 0 : i32
    return %c0_i32, %c0_i32_0 : i32, i32
  }
  func.func @transform_4(%arg0: i32) -> (i32, i32) {
    %c0_i32 = arith.constant 0 : i32
    %c0_i32_0 = arith.constant 0 : i32
    %c0_i32_1 = arith.constant 0 : i32
    return %c0_i32, %c0_i32_0 : i32, i32
  }
  func.func @transform_5(%arg0: i32) -> (i32, i32) {
    %c0_i32 = arith.constant 0 : i32
    %c0_i32_0 = arith.constant 0 : i32
    %c0_i32_1 = arith.constant 0 : i32
    return %c0_i32, %c0_i32_0 : i32, i32
  }
  func.func @transform_6(%arg0: i32) -> (i32, i32) {
    %c0_i32 = arith.constant 0 : i32
    %c0_i32_0 = arith.constant 0 : i32
    %c0_i32_1 = arith.constant 0 : i32
    return %c0_i32, %c0_i32_0 : i32, i32
  }
  func.func @transform_7(%arg0: i32) -> (i32, i32) {
    %c0_i32 = arith.constant 0 : i32
    %c0_i32_0 = arith.constant 0 : i32
    return %arg0, %c0_i32 : i32, i32
  }
  func.func @transform_8(%arg0: i32) -> (i32, i32) {
    %c0_i32 = arith.constant 0 : i32
    %c0_i32_0 = arith.constant 0 : i32
    return %arg0, %c0_i32 : i32, i32
  }
}

</mosaic_0001>

<sc_bundles>
// kernel: kernel.10.cloned.1.call-start
scs
__scs_entry_jumppad:
0x0: {  	(pc) =	sbr.rel $0x88, $3  }
0x1: {  	(tag) =	ssettag $0x0;
	lr =	simm.s32 $0x1  }
0x2: {  	[smem:$0x3F98] =	sst lr;
	_ =	strace $0xD0000000  }
0x3: {  	_ = 	snop  }
0x4: {  	_ = 	snop  }
0x5: {  	_ = 	snop  }
0x6: {  	_ = 	snop  }
0x7: {  	_ = 	snop  }
__scs_overlays_trampoline_lowered:
0x8: {  	[smem:$0x3FA7] =	sst s0  }
0x9: {  	[smem:$0x3FA8] =	sst s1  }
0xa: {  	[smem:$0x3FA9] =	sst s2  }
0xb: {  	[smem:$0x3FAA] =	sst s3  }
0xc: {  	[smem:$0x3FAB] =	sst s4  }
0xd: {  	[smem:$0x3FAC] =	sst s5  }
0xe: {  	[smem:$0x3FAD] =	sst s6  }
0xf: {  	[smem:$0x3FAE] =	sst s7  }
0x10: {  	[smem:$0x3FAF] =	sst s8  }
0x11: {  	[smem:$0x3FB0] =	sst s9;
	s0 =	simm.s32 @!p0 $0x0  }
0x12: {  	s1 =	sld [smem:$0x3F96];
	s0 =	simm.s32 @p0 $0x1  }
0x13: {  	[smem:$0x3FB1] =	sst s0;
	s0 =	simm.s32 @!p1 $0x0  }
0x14: {  	s2 =	sld [smem:$0x3F95];
	s0 =	simm.s32 @p1 $0x1  }
0x15: {  	[smem:$0x3FB2] =	sst s0;
	s0 =	simm.s32 @!p2 $0x0  }
0x16: {  	s3 =	sld [smem:$0x3FDB];
	s0 =	simm.s32 @p2 $0x1  }
0x17: {  	s4 =	simm.s32 $0x1BF5;
	[smem:$0x3FB4] =	sst s0  }
0x18: {  	s0 =	sld [smem:$0x3F97];
	_ =	swait.ge [sflag:s4], $0x0  }
0x19: {  	s7 =	sld [smem:$0x3F98]  }
0x1a: {  	s8 =	sadd.s32 $0xFFFFE003, lr  }
0x1b: {  	s9 =	sadd.s32 $0xFFFFFEF7, lr;
	s5 =	simm.s32 $0xFFFFFFFF;
	p2 =	slt.u32 s8, $0xFFFFF086  }
0x1c: {  	p1 =	slt.u32 s9, $0xF7A;
	s5 =	simm.s32 @!p2 $0x0  }
0x1d: {  	s5 =	simm.s32 @p1 $0x1;
	p0 =	seq.s32 s7, s2  }
0x1e: {  	s7 =	smul.u32 @!p0 $0xF7A, s2;
	p2 =	seq.s32 @!p0 s5, $0x0  }
0x1f: {  	s9 =	smul.u32 $0xF7A, s1;
	s8 =	simm.s32 @!p0 $0x1BF5;
	p2 =	por !p2, p0  }
0x20: {  	[sflag:s8] =	ssyncset.s32 @!p0 $0xFFFFF086;
	s6 =	sadd.s32 @!p0 s3, s7;
	s7 =	simm.s32 @!p0 $0x108  }
0x21: {  	s3 =	sadd.s32 s3, s9;
	s6 =	sadd.s32 @!p0 $0x88, s6;
	s7 =	simm.s32 @p2 $0x1082  }
0x22: {  	[simem:s7], [sflag:s8] =	dma.local @!p0 [hbm:s6], $0xF7A  }
0x23: {  	s9 =	sor.u32 $0xD0000000, s2;
	s6 =	simm.s32 $0x108;
	_ =	swait.ge @!p0 [sflag:s8], $0x0  }
0x24: {  	s3 =	sadd.s32 $0x88, s3;
	s6 =	simm.s32 @!p1 $0x1082;
	[sflag:s4] =	ssyncset.s32 $0xFFFFF086  }
0x25: {  	[simem:s6], [sflag:s4] =	dma.local [hbm:s3], $0xF7A  }
0x26: {  	[smem:$0x3F98] =	sst s1;
	(tag) =	ssettag s2;
	_ =	strace s9  }
0x27: {  	s1 =	sld [smem:$0x3FA8]  }
0x28: {  	s2 =	sld [smem:$0x3FA9]  }
0x29: {  	s4 =	sld [smem:$0x3FAB]  }
0x2a: {  	p0 =	seq.s32 s5, $0x0;
	s5 =	sld [smem:$0x3FAC]  }
0x2b: {  	s6 =	sld [smem:$0x3FAD]  }
0x2c: {  	s7 =	sld [smem:$0x3FAE]  }
0x2d: {  	s3 =	simm.s32 $0x108;
	s8 =	sld [smem:$0x3FAF]  }
0x2e: {  	s3 =	simm.s32 @!p0 $0x1082;
	s9 =	sld [smem:$0x3FB0]  }
0x2f: {  	lr =	sadd.s32 s0, s3;
	s0 =	sld [smem:$0x3FA7]  }
0x30: {  	s3 =	sld [smem:$0x3FAA]  }
0x31: {  	[smem:$0x3FB3] =	sst s10  }
0x32: {  	s10 =	sld [smem:$0x3FB1];
	_ =	sdelay $0x3  }
0x33: {  	p0 =	seq.s32 s10, $0x1;
	s10 =	sld [smem:$0x3FB3];
	_ =	sdelay $0x3  }
0x34: {  	[smem:$0x3FB3] =	sst s10  }
0x35: {  	s10 =	sld [smem:$0x3FB2];
	_ =	sdelay $0x3  }
0x36: {  	p1 =	seq.s32 s10, $0x1;
	s10 =	sld [smem:$0x3FB3];
	_ =	sdelay $0x3  }
0x37: {  	[smem:$0x3FB3] =	sst s10  }
0x38: {  	s10 =	sld [smem:$0x3FB4]  }
0x39: {  	_ = 	snop;
	(pc) =	sbr.ind lr, $3  }
0x3a: {  	_ = 	snop  }
0x3b: {  	_ = 	snop  }
0x3c: {  	p2 =	seq.s32 s10, $0x1;
	s10 =	sld [smem:$0x3FB3]  }
0x3d: {  	_ =	shalt  }
0x3e: {  	_ =	shalt  }
0x3f: {  	_ =	shalt  }
0x40: {  	_ =	shalt  }
0x41: {  	_ =	shalt  }
0x42: {  	_ =	shalt  }
0x43: {  	_ =	shalt  }
0x44: {  	_ =	shalt  }
0x45: {  	_ =	shalt  }
0x46: {  	_ =	shalt  }
0x47: {  	_ =	shalt  }
0x48: {  	_ =	shalt  }
0x49: {  	_ =	shalt  }
0x4a: {  	_ =	shalt  }
0x4b: {  	_ =	shalt  }
0x4c: {  	_ =	shalt  }
0x4d: {  	_ =	shalt  }
0x4e: {  	_ =	shalt  }
0x4f: {  	_ =	shalt  }
0x50: {  	_ =	shalt  }
0x51: {  	_ =	shalt  }
0x52: {  	_ =	shalt  }
0x53: {  	_ =	shalt  }
0x54: {  	_ =	shalt  }
0x55: {  	_ =	shalt  }
0x56: {  	_ =	shalt  }
0x57: {  	_ =	shalt  }
0x58: {  	_ =	shalt  }
0x59: {  	_ =	shalt  }
0x5a: {  	_ =	shalt  }
0x5b: {  	_ =	shalt  }
0x5c: {  	_ =	shalt  }
0x5d: {  	_ =	shalt  }
0x5e: {  	_ =	shalt  }
0x5f: {  	_ =	shalt  }
0x60: {  	_ =	shalt  }
0x61: {  	_ =	shalt  }
0x62: {  	_ =	shalt  }
0x63: {  	_ =	shalt  }
0x64: {  	_ =	shalt  }
0x65: {  	_ =	shalt  }
0x66: {  	_ =	shalt  }
0x67: {  	_ =	shalt  }
0x68: {  	_ =	shalt  }
0x69: {  	_ =	shalt  }
0x6a: {  	_ =	shalt  }
0x6b: {  	_ =	shalt  }
0x6c: {  	_ =	shalt  }
0x6d: {  	_ =	shalt  }
0x6e: {  	_ =	shalt  }
0x6f: {  	_ =	shalt  }
0x70: {  	_ =	shalt  }
0x71: {  	_ =	shalt  }
0x72: {  	_ =	shalt  }
0x73: {  	_ =	shalt  }
0x74: {  	_ =	shalt  }
0x75: {  	_ =	shalt  }
0x76: {  	_ =	shalt  }
0x77: {  	_ =	shalt  }
0x78: {  	_ =	shalt  }
0x79: {  	_ =	shalt  }
0x7a: {  	_ =	shalt  }
0x7b: {  	_ =	shalt  }
0x7c: {  	_ =	shalt  }
0x7d: {  	_ =	shalt  }
0x7e: {  	_ =	shalt  }
0x7f: {  	_ =	shalt  }
0x80: {  	_ =	shalt  }
0x81: {  	_ =	shalt  }
0x82: {  	_ =	shalt  }
0x83: {  	_ =	shalt  }
0x84: {  	_ =	shalt  }
0x85: {  	_ =	shalt  }
0x86: {  	_ =	shalt  }
0x87: {  	_ =	shalt  }
.Lfunc_end0:
.L_simem_size_0:
called_computation.1_lowered:
.L_overlay_start_0:
0x88: {  	s2 =	sld [smem:$0x3FD9]  }
0x89: {  	s3 =	sld [smem:$0x3FFE];
	_ =	sdelay $0x1  }
0x8a: {  	s1 =	srdreg.scid  }
0x8b: {  	s0 =	sand.u32 $0x1, s1  }
0x8c: {  	s14 =	sshll.u32 s0, $0xA;
	s2 =	sadd.s32 s3, s2  }
0x8d: {  	s2 =	sadd.s32 s2, s14  }
0x8e: {  	[smem:$0x3FBF] =	sst s2  }
0x8f: {  	_ = 	snop  }
0x90: {  	s2 =	sld [smem:$0x3FD0];
	_ =	sdelay $0x2  }
0x91: {  	s15 =	simm.s32 $0xA;
	s4 =	simm.s32 $0x10  }
0x92: {  	[smem:s4], [sflag:s15] =	dma.local [hbm:s2], $0x1  }
0x93: {  	_ =	swait.eq [sflag:s15], $0x1  }
0x94: {  	[sflag:s15] =	ssyncset.done $0x0  }
0x95: {  	s16 =	sld [smem:$0x10];
	[sflag:s15] =	ssyncadd.s32 $0xFFFFFFFF  }
0x96: {  	s17 =	sld [smem:$0x11];
	(tm) =	ssettm $0x1  }
0x97: {  	s18 =	sld [smem:$0x3FFB];
	_ =	sdelay $0x3  }
0x98: {  	_ =	strace s18  }
0x99: {  	s4 =	sld [smem:$0x3FFC];
	_ =	sdelay $0x3  }
0x9a: {  	_ =	strace s4  }
0x9b: {  	s4 =	sld [smem:$0x3FFD];
	_ =	sdelay $0x3  }
0x9c: {  	_ =	strace s4  }
0x9d: {  	_ =	strace $0x8FFFFFFF  }
0x9e: {  	s19 =	sld [smem:$0x3FDB];
	_ =	sdelay $0x1  }
0x9f: {  	s5 =	simm.s32 $_scs_section_size  }
0xa0: {  	s6 =	simm.s32 $_size__tile_overlayer_lowered;
	s7 =	simm.s32 $_tile_overlayer_lowered  }
0xa1: {  	s22 =	simm.s32 $0x1BFF;
	s21 =	sshll.u32 s7, $0x1;
	s4 =	sadd.s32 s5, s19  }
0xa2: {  	s8 =	simm.s32 $0x0;
	s20 =	sshll.u32 s6, $0x1;
	s6 =	sadd.s32 s21, s4  }
0xa3: {  	[timem:s8], [sflag:s22] =	dma.local [hbm:s6], s20  }
0xa4: {  	_ =	swait.ge [sflag:s22], s20  }
0xa5: {  	s5 =	ssub.s32 $0x0, s20;
	[sflag:s22] =	ssyncset.done $0x0  }
0xa6: {  	[sflag:s22] =	ssyncadd.s32 s5;
	_ =	sdelay $0x1  }
0xa7: {  	s23 =	simm.s32 $0x1B8B  }
0xa8: {  	_ =	swait.ge [sflag:s23], $0x1  }
0xa9: {  	[sflag:s23] =	ssyncset.done $0x0  }
0xaa: {  	s25 =	simm.s32 $0x1B8E;
	s24 =	sld [smem:$0x3FFE];
	[sflag:s23] =	ssyncadd.s32 $0xFFFFFFFF  }
0xab: {  	s26 =	simm.s32 $execute0_lowered;
	[smem:$0x3FD2] =	sst s25  }
0xac: {  	s6 =	sshll.u32 s26, $0x1;
	_ =	strace $0x80000049;
	[dreg:$0x1] =	wrdreg $0xFFFFFFFF  }
0xad: {  	s28 =	simm.s32 $_size_execute0_lowered;
	s4 =	sadd.s32 s4, s6;
	[dreg:$0x0] =	wrdreg $0x0  }
0xae: {  	s6 =	sshll.u32 s28, $0x1;
	[dreg:$0x2] =	wrdreg s4  }
0xaf: {  	[dreg:$0x3] =	wrdreg s6  }
0xb0: {  	[dreg:$0x4] =	wrdreg $0xC0  }
0xb1: {  	_ =	task [dreg:s8], $0x5FFFF  }
0xb2: {  	[dreg:$0x1] =	wrdreg $0xFFFFFFFF  }
0xb3: {  	[dreg:$0x0] =	wrdreg $0x60  }
0xb4: {  	[dreg:$0x2] =	wrdreg s17  }
0xb5: {  	[dreg:$0x3] =	wrdreg s24  }
0xb6: {  	[dreg:$0x4] =	wrdreg s16  }
0xb7: {  	[dreg:$0x5] =	wrdreg $0x0  }
0xb8: {  	[dreg:$0x6] =	wrdreg $0x9  }
0xb9: {  	_ =	task.clear_ibuf [dreg:s8], $0x7FFFF;
	_ =	strace $0x90000049  }
0xba: {  	s29 =	simm.s32 $0x9;
	_ =	strace $0x8000004B  }
0xbb: {  	_ =	swait.ge [sflag:s29], $0x1  }
0xbc: {  	[sflag:s29] =	ssyncadd.s32 $0xFFFFFFFF  }
0xbd: {  	_ =	strace $0x9000004B  }
0xbe: {  	_ =	sfence  }
0xbf: {  	s30 =	sld [smem:$0x0];
	_ =	sdelay $0x2  }
0xc0: {  	s31 =	sshll.u32 s1, $0xD;
	s1 =	sshrl.u32 s1, $0x2  }
0xc1: {  	s3 =	sand.u32 $0x4000, s31;
	s1 =	sadd.s32 s1, s30  }
0xc2: {  	s0 =	sor.u32 s3, s0;
	s1 =	sshll.u32 s1, $0x11  }
0xc3: {  	s0 =	sor.u32 s1, s0  }
0xc4: {  	s0 =	sadd.s32 $0x8F2B, s0  }
0xc5: {  	[sflag:s0] =	ssyncadd.remote.s32 $0x1  }
0xc6: {  	_ =	sfence.sel $0xFFFF  }
0xc7: {  	[dreg:$0x0] =	wrdreg $0xFFFFFFFF;
	(pc) =	sbr.abs _section_cstart, $3  }
0xc8: {  	[dreg:$0x1] =	wrdreg $0xFFFFFFFF  }
0xc9: {  	_ =	task.clear_ibuf [dreg:s8], $0x2FFFF;
	_ =	strace $0x9FFFFFFF  }
0xca: {  	(tm) =	ssettm $0x7FFFFFFF  }
0xcb: {  	_ =	shalt  }
tec
execute0_lowered:
.L_overlay_start_1:
0x0: {  	(tag) =	ssettag $0x1  }
0x1: {  	s1 =	rddreg [dreg:$0x0]  }
0x2: {  	s7 =	rddreg [dreg:$0x1]  }
0x3: {  	s8 =	rddreg [dreg:$0x2]  }
0x4: {  	s3 =	rddreg [dreg:$0x3]  }
0x5: {  	s0 =	rddreg [dreg:$0x4]  }
0x6: {  	s5 =	srdreg.scid;
	s2 =	stileid.u32;
	s4 =	simm.s32 $0x0  }
0x7: {  	s15 =	simm.s32 $0x13C00;
	s16 =	simm.s32 $0x14400;
	s17 =	simm.s32 $0x80  }
0x8: {  	s18 =	simm.s32 $0x14C00;
	s19 =	simm.s32 $0x2;
	s20 =	simm.s32 $0x3  }
0x9: {  	s9 =	sand.u32 $0x1, s5;
	s10 =	smul.u32 $0x13C00, s2;
	[smem:$0x7FF] =	sst s4  }
0xa: {  	s5 =	sadd.s32 $0x1E00, s7;
	s6 =	sadd.s32 $0xBE00, s7;
	s14 =	smul.u32 $0x4F000, s2  }
0xb: {  	s31 =	sshll.u32 s2, $0x6;
	s11 =	smul.u32 $0x13C000, s9;
	_ =	strace $0x8000004A  }
0xc: {  	s12 =	ssub.s32 $0x2, s9;
	s30 =	smul.u32 $0x50000, s9;
	s9 =	sor.u32 $0x1C01, s31  }
0xd: {  	s13 =	sshrl.u32 s12, $0x1;
	s29 =	sshrl.u32 s14, $0x2;
	s11 =	sadd.s32 s10, s11  }
0xe: {  	s14 =	simm.s32 $0x1;
	s12 =	ssub.s32 s12, s13;
	s11 =	sshrl.u32 s11, $0x3  }
0xf: {  	s10 =	sshrl.u32 s10, $0x3;
	s11 =	sadd.s32 s11, s7;
	s7 =	smul.u32 $0x5000, s2  }
0x10: {  	s13 =	sadd.s32 s29, s3;
	s8 =	sadd.s32 s8, s10;
	s12 =	smax.u32 s12, $0x1  }
0x11: {  	s13 =	sshrl.u32 s13, $0x3;
	s11 =	sadd.s32 $0x1FE00, s11;
	s10 =	sadd.s32 s30, s7  }
.LBB2_1:
0x12: {  	[spmem:s13], [sflag:s9] =	dma.local [hbm:s8], $0x2780  }
0x13: {  	_ =	swait.ge [sflag:s14], $0x2780  }
0x14: {  	[sflag:s14] =	ssyncset.done $0x0  }
0x15: {  	[sflag:s14] =	ssyncadd.s32 $0xFFFFD880  }
0x16: {  	s21 =	simm.s32 $0x0;
	[bflag:$0x0] =	sbarrier.arrive $0xFFFF  }
.LBB2_2:
0x17: {  	s22 =	sshll.u32 s21, $0xB  }
0x18: {  	s23 =	sadd.s32 s7, s22  }
0x19: {  	s23 =	sshrl.u32 s23, $0x3  }
0x1a: {  	s24 =	simm.s32 $0x0;
	s23 =	sadd.s32 s5, s23  }
0x1b: {  	[tilespmem:s15], [sflag:$0x1] =	stream.linear.gather [hbm4b:s23+s24], $0x800, $0x38;
	[tilespmem:$0x18C00] =	vst v63  }
0x1c: {  	s22 =	sadd.s32 s10, s22;
	_ =	swait.ge [sflag:s14], $0x800  }
0x1d: {  	s22 =	sshrl.u32 s22, $0x3;
	[sflag:s14] =	ssyncset.done $0x0  }
0x1e: {  	s22 =	sadd.s32 s6, s22;
	[sflag:s14] =	ssyncadd.s32 $0xFFFFF800  }
0x1f: {  	[tilespmem:s16], [sflag:$0x1] =	stream.linear.gather [hbm4b:s22+s24], $0x800, $0x38;
	[tilespmem:$0x18C00] =	vst v63  }
0x20: {  	_ =	swait.ge [sflag:s14], $0x800  }
0x21: {  	[sflag:s14] =	ssyncset.done $0x0  }
0x22: {  	s30 =	simm.s32 $0x14400;
	[sflag:s14] =	ssyncadd.s32 $0xFFFFF800  }
0x23: {  	[tilespmem:s18], [sflag:$0x2] =	stream.indirect.gather [hbm4b:s1+s17], $0x80, s30, s17, $0xb8;
	[tilespmem:$0x18C00] =	vst v63  }
0x24: {  	_ =	swait.ge [sflag:s19], $0x4000  }
0x25: {  	[sflag:s19] =	ssyncset.done $0x0  }
0x26: {  	s31 =	simm.s32 $0x13C00;
	[sflag:s19] =	ssyncadd.s32 $0xFFFFC000  }
0x27: {  	[spmem:s3] =	stream.indirect.scatter.add.f32 [tilespmem:s18], [sflag:$0x3], $0x80, s31, s17, $0xb8;
	[tilespmem:$0x18C00] =	vst v63  }
0x28: {  	_ =	swait.ge [sflag:s20], $0x4000  }
0x29: {  	s23 =	simm.s32 $0x400;
	s22 =	simm.s32 $0x80;
	[sflag:s20] =	ssyncset.done $0x0  }
.LBB2_3:
0x2a: {  	s24 =	sadd.s32 $0x14400, s22  }
0x2b: {  	[sflag:s20] =	ssyncadd.s32 $0xFFFFC000;
	s25 =	smov.u32 s23;
	s26 =	sadd.s32 $0x200, s23  }
0x2c: {  	[tilespmem:s18], [sflag:$0x2] =	stream.indirect.gather [hbm4b:s1+s17], $0x80, s24, s17, $0xb8;
	[tilespmem:$0x18C00] =	vst v63  }
0x2d: {  	p0 =	sne.s32 s23, $0x1E00;
	_ =	swait.ge [sflag:s19], $0x4000  }
.Ltmp0:
0x2e: {  	[sflag:s19] =	ssyncset.done $0x0;
	(pc) =	sbr.rel @p0 .LBB2_3-.Ltmp0, $4  }
0x2f: {  	s22 =	sadd.s32 $0x13C00, s22;
	[sflag:s19] =	ssyncadd.s32 $0xFFFFC000  }
0x30: {  	[spmem:s3] =	stream.indirect.scatter.add.f32 [tilespmem:s18], [sflag:$0x3], $0x80, s22, s17, $0xb8;
	[tilespmem:$0x18C00] =	vst v63  }
0x31: {  	_ =	swait.ge [sflag:s20], $0x4000  }
0x32: {  	s23 =	smov.u32 s26;
	s22 =	sshra.s32 s25, $0x2;
	[sflag:s20] =	ssyncset.done $0x0  }
0x33: {  	s23 =	sadd.s32 $0x14400, s22;
	[sflag:s20] =	ssyncadd.s32 $0xFFFFC000  }
0x34: {  	[tilespmem:s18], [sflag:$0x2] =	stream.indirect.gather [hbm4b:s1+s17], $0x80, s23, s17, $0xb8;
	[tilespmem:$0x18C00] =	vst v63  }
0x35: {  	s21 =	sadd.s32 $0x1, s21;
	_ =	swait.ge [sflag:s19], $0x4000  }
0x36: {  	p0 =	sne.s32 s21, $0xA;
	[sflag:s19] =	ssyncset.done $0x0  }
.Ltmp1:
0x37: {  	s31 =	sadd.s32 $0x13C00, s22;
	[sflag:s19] =	ssyncadd.s32 $0xFFFFC000;
	(pc) =	sbr.rel @p0 .LBB2_2-.Ltmp1, $4  }
0x38: {  	[spmem:s3] =	stream.indirect.scatter.add.f32 [tilespmem:s18], [sflag:$0x3], $0x80, s31, s17, $0xb8;
	[tilespmem:$0x18C00] =	vst v63  }
0x39: {  	_ =	swait.ge [sflag:s20], $0x4000  }
0x3a: {  	[sflag:s20] =	ssyncset.done $0x0  }
0x3b: {  	[sflag:s20] =	ssyncadd.s32 $0xFFFFC000  }
0x3c: {  	s4 =	sadd.s32 $0x1, s4  }
0x3d: {  	p0 =	sne.s32 s4, s12  }
.Ltmp2:
0x3e: {  	[bflag:$0x0] =	sbarrier.arrive $0xFFFF;
	(pc) =	sbr.rel @p0 .LBB2_1-.Ltmp2, $4  }
0x3f: {  	[hbm:s11], [sflag:s9] =	dma.local [spmem:s13], $0x2780  }
0x40: {  	_ =	swait.ge [sflag:s14], $0x2780  }
0x41: {  	[sflag:s14] =	ssyncset.done $0x0  }
0x42: {  	[sflag:s14] =	ssyncadd.s32 $0xFFFFD880  }
0x43: {  	_ =	sfence.sel $0x180000  }
0x44: {  	[bflag:$0x0] =	sbarrier.arrive $0xFFFF  }
0x45: {  	p0 =	sne.s32 s2, $0x0;
	_ =	strace $0x9000004A  }
0x46: {  	s0 =	sadd.s32 @!p0 $0x100000, s0;
	[bflag:$0x2] =	sbarrier.arrive $0xFFFF  }
0x47: {  	[sflag:s0] =	ssyncadd.tile.s32 @!p0 $0x1;
	_ =	shalt  }
.Lfunc_end2:
_tile_overlayer_lowered:
.L_overlay_start_2:
0x48: {  	(tag) =	ssettag $0x2  }
0x49: {  	s0 =	rddreg [dreg:$0x0];
	s2 =	stileid.u32  }
0x4a: {  	s1 =	rddreg [dreg:$0x1];
	p0 =	sne.s32 s2, $0x0  }
0x4b: {  	s3 =	rddreg [dreg:$0x2];
	[bflag:$0x3] =	sbarrier.arrive $0xFFFF;
	s2 =	simm.s32 @!p0 $0x1C03  }
0x4c: {  	[timem:s3], [sflag:s2] =	dma.local @!p0 [hbm:s0], s1  }
0x4d: {  	s0 =	simm.s32 @!p0 $0x3  }
0x4e: {  	_ =	swait.ge @!p0 [sflag:s0], s1  }
0x4f: {  	s1 =	ssub.s32 @!p0 $0x0, s1;
	[sflag:s0] =	ssyncset.done @!p0 $0x0  }
0x50: {  	[sflag:s0] =	ssyncadd.s32 @!p0 s1  }
0x51: {  	[bflag:$0x3] =	sbarrier.arrive $0xFFFF  }
0x52: {  	_ =	shalt  }

// kernel: kernel.7.cloned.1.call-start
scs
__scs_entry_jumppad:
0x0: {  	(pc) =	sbr.rel $0x88, $3  }
0x1: {  	(tag) =	ssettag $0x0;
	lr =	simm.s32 $0x1  }
0x2: {  	[smem:$0x3F98] =	sst lr;
	_ =	strace $0xD0000000  }
0x3: {  	_ = 	snop  }
0x4: {  	_ = 	snop  }
0x5: {  	_ = 	snop  }
0x6: {  	_ = 	snop  }
0x7: {  	_ = 	snop  }
__scs_overlays_trampoline_lowered:
0x8: {  	[smem:$0x3FA7] =	sst s0  }
0x9: {  	[smem:$0x3FA8] =	sst s1  }
0xa: {  	[smem:$0x3FA9] =	sst s2  }
0xb: {  	[smem:$0x3FAA] =	sst s3  }
0xc: {  	[smem:$0x3FAB] =	sst s4  }
0xd: {  	[smem:$0x3FAC] =	sst s5  }
0xe: {  	[smem:$0x3FAD] =	sst s6  }
0xf: {  	[smem:$0x3FAE] =	sst s7  }
0x10: {  	[smem:$0x3FAF] =	sst s8  }
0x11: {  	[smem:$0x3FB0] =	sst s9;
	s0 =	simm.s32 @!p0 $0x0  }
0x12: {  	s1 =	sld [smem:$0x3F96];
	s0 =	simm.s32 @p0 $0x1  }
0x13: {  	[smem:$0x3FB1] =	sst s0;
	s0 =	simm.s32 @!p1 $0x0  }
0x14: {  	s2 =	sld [smem:$0x3F95];
	s0 =	simm.s32 @p1 $0x1  }
0x15: {  	[smem:$0x3FB2] =	sst s0;
	s0 =	simm.s32 @!p2 $0x0  }
0x16: {  	s3 =	sld [smem:$0x3FDB];
	s0 =	simm.s32 @p2 $0x1  }
0x17: {  	s4 =	simm.s32 $0x1BF5;
	[smem:$0x3FB4] =	sst s0  }
0x18: {  	s0 =	sld [smem:$0x3F97];
	_ =	swait.ge [sflag:s4], $0x0  }
0x19: {  	s7 =	sld [smem:$0x3F98]  }
0x1a: {  	s8 =	sadd.s32 $0xFFFFE003, lr  }
0x1b: {  	s9 =	sadd.s32 $0xFFFFFEF7, lr;
	s5 =	simm.s32 $0xFFFFFFFF;
	p2 =	slt.u32 s8, $0xFFFFF086  }
0x1c: {  	p1 =	slt.u32 s9, $0xF7A;
	s5 =	simm.s32 @!p2 $0x0  }
0x1d: {  	s5 =	simm.s32 @p1 $0x1;
	p0 =	seq.s32 s7, s2  }
0x1e: {  	s7 =	smul.u32 @!p0 $0xF7A, s2;
	p2 =	seq.s32 @!p0 s5, $0x0  }
0x1f: {  	s9 =	smul.u32 $0xF7A, s1;
	s8 =	simm.s32 @!p0 $0x1BF5;
	p2 =	por !p2, p0  }
0x20: {  	[sflag:s8] =	ssyncset.s32 @!p0 $0xFFFFF086;
	s6 =	sadd.s32 @!p0 s3, s7;
	s7 =	simm.s32 @!p0 $0x108  }
0x21: {  	s3 =	sadd.s32 s3, s9;
	s6 =	sadd.s32 @!p0 $0x88, s6;
	s7 =	simm.s32 @p2 $0x1082  }
0x22: {  	[simem:s7], [sflag:s8] =	dma.local @!p0 [hbm:s6], $0xF7A  }
0x23: {  	s9 =	sor.u32 $0xD0000000, s2;
	s6 =	simm.s32 $0x108;
	_ =	swait.ge @!p0 [sflag:s8], $0x0  }
0x24: {  	s3 =	sadd.s32 $0x88, s3;
	s6 =	simm.s32 @!p1 $0x1082;
	[sflag:s4] =	ssyncset.s32 $0xFFFFF086  }
0x25: {  	[simem:s6], [sflag:s4] =	dma.local [hbm:s3], $0xF7A  }
0x26: {  	[smem:$0x3F98] =	sst s1;
	(tag) =	ssettag s2;
	_ =	strace s9  }
0x27: {  	s1 =	sld [smem:$0x3FA8]  }
0x28: {  	s2 =	sld [smem:$0x3FA9]  }
0x29: {  	s4 =	sld [smem:$0x3FAB]  }
0x2a: {  	p0 =	seq.s32 s5, $0x0;
	s5 =	sld [smem:$0x3FAC]  }
0x2b: {  	s6 =	sld [smem:$0x3FAD]  }
0x2c: {  	s7 =	sld [smem:$0x3FAE]  }
0x2d: {  	s3 =	simm.s32 $0x108;
	s8 =	sld [smem:$0x3FAF]  }
0x2e: {  	s3 =	simm.s32 @!p0 $0x1082;
	s9 =	sld [smem:$0x3FB0]  }
0x2f: {  	lr =	sadd.s32 s0, s3;
	s0 =	sld [smem:$0x3FA7]  }
0x30: {  	s3 =	sld [smem:$0x3FAA]  }
0x31: {  	[smem:$0x3FB3] =	sst s10  }
0x32: {  	s10 =	sld [smem:$0x3FB1];
	_ =	sdelay $0x3  }
0x33: {  	p0 =	seq.s32 s10, $0x1;
	s10 =	sld [smem:$0x3FB3];
	_ =	sdelay $0x3  }
0x34: {  	[smem:$0x3FB3] =	sst s10  }
0x35: {  	s10 =	sld [smem:$0x3FB2];
	_ =	sdelay $0x3  }
0x36: {  	p1 =	seq.s32 s10, $0x1;
	s10 =	sld [smem:$0x3FB3];
	_ =	sdelay $0x3  }
0x37: {  	[smem:$0x3FB3] =	sst s10  }
0x38: {  	s10 =	sld [smem:$0x3FB4]  }
0x39: {  	_ = 	snop;
	(pc) =	sbr.ind lr, $3  }
0x3a: {  	_ = 	snop  }
0x3b: {  	_ = 	snop  }
0x3c: {  	p2 =	seq.s32 s10, $0x1;
	s10 =	sld [smem:$0x3FB3]  }
0x3d: {  	_ =	shalt  }
0x3e: {  	_ =	shalt  }
0x3f: {  	_ =	shalt  }
0x40: {  	_ =	shalt  }
0x41: {  	_ =	shalt  }
0x42: {  	_ =	shalt  }
0x43: {  	_ =	shalt  }
0x44: {  	_ =	shalt  }
0x45: {  	_ =	shalt  }
0x46: {  	_ =	shalt  }
0x47: {  	_ =	shalt  }
0x48: {  	_ =	shalt  }
0x49: {  	_ =	shalt  }
0x4a: {  	_ =	shalt  }
0x4b: {  	_ =	shalt  }
0x4c: {  	_ =	shalt  }
0x4d: {  	_ =	shalt  }
0x4e: {  	_ =	shalt  }
0x4f: {  	_ =	shalt  }
0x50: {  	_ =	shalt  }
0x51: {  	_ =	shalt  }
0x52: {  	_ =	shalt  }
0x53: {  	_ =	shalt  }
0x54: {  	_ =	shalt  }
0x55: {  	_ =	shalt  }
0x56: {  	_ =	shalt  }
0x57: {  	_ =	shalt  }
0x58: {  	_ =	shalt  }
0x59: {  	_ =	shalt  }
0x5a: {  	_ =	shalt  }
0x5b: {  	_ =	shalt  }
0x5c: {  	_ =	shalt  }
0x5d: {  	_ =	shalt  }
0x5e: {  	_ =	shalt  }
0x5f: {  	_ =	shalt  }
0x60: {  	_ =	shalt  }
0x61: {  	_ =	shalt  }
0x62: {  	_ =	shalt  }
0x63: {  	_ =	shalt  }
0x64: {  	_ =	shalt  }
0x65: {  	_ =	shalt  }
0x66: {  	_ =	shalt  }
0x67: {  	_ =	shalt  }
0x68: {  	_ =	shalt  }
0x69: {  	_ =	shalt  }
0x6a: {  	_ =	shalt  }
0x6b: {  	_ =	shalt  }
0x6c: {  	_ =	shalt  }
0x6d: {  	_ =	shalt  }
0x6e: {  	_ =	shalt  }
0x6f: {  	_ =	shalt  }
0x70: {  	_ =	shalt  }
0x71: {  	_ =	shalt  }
0x72: {  	_ =	shalt  }
0x73: {  	_ =	shalt  }
0x74: {  	_ =	shalt  }
0x75: {  	_ =	shalt  }
0x76: {  	_ =	shalt  }
0x77: {  	_ =	shalt  }
0x78: {  	_ =	shalt  }
0x79: {  	_ =	shalt  }
0x7a: {  	_ =	shalt  }
0x7b: {  	_ =	shalt  }
0x7c: {  	_ =	shalt  }
0x7d: {  	_ =	shalt  }
0x7e: {  	_ =	shalt  }
0x7f: {  	_ =	shalt  }
0x80: {  	_ =	shalt  }
0x81: {  	_ =	shalt  }
0x82: {  	_ =	shalt  }
0x83: {  	_ =	shalt  }
0x84: {  	_ =	shalt  }
0x85: {  	_ =	shalt  }
0x86: {  	_ =	shalt  }
0x87: {  	_ =	shalt  }
.Lfunc_end0:
.L_simem_size_0:
called_computation_lowered:
.L_overlay_start_0:
0x88: {  	s2 =	sld [smem:$0x3FD9]  }
0x89: {  	s3 =	sld [smem:$0x3FFE];
	_ =	sdelay $0x1  }
0x8a: {  	s1 =	srdreg.scid  }
0x8b: {  	s0 =	sand.u32 $0x1, s1  }
0x8c: {  	s15 =	sshll.u32 s0, $0xA;
	s2 =	sadd.s32 s3, s2  }
0x8d: {  	s2 =	sadd.s32 s2, s15  }
0x8e: {  	[smem:$0x3FBF] =	sst s2  }
0x8f: {  	_ = 	snop  }
0x90: {  	s2 =	sld [smem:$0x3FD0];
	_ =	sdelay $0x2  }
0x91: {  	s16 =	simm.s32 $0xA;
	s4 =	simm.s32 $0x10  }
0x92: {  	[smem:s4], [sflag:s16] =	dma.local [hbm:s2], $0x1  }
0x93: {  	_ =	swait.eq [sflag:s16], $0x1  }
0x94: {  	[sflag:s16] =	ssyncset.done $0x0  }
0x95: {  	s17 =	sld [smem:$0x10];
	[sflag:s16] =	ssyncadd.s32 $0xFFFFFFFF  }
0x96: {  	s18 =	sld [smem:$0x11];
	(tm) =	ssettm $0x1  }
0x97: {  	s19 =	sld [smem:$0x3FFB];
	_ =	sdelay $0x3  }
0x98: {  	_ =	strace s19  }
0x99: {  	s4 =	sld [smem:$0x3FFC];
	_ =	sdelay $0x3  }
0x9a: {  	_ =	strace s4  }
0x9b: {  	s4 =	sld [smem:$0x3FFD];
	_ =	sdelay $0x3  }
0x9c: {  	_ =	strace s4  }
0x9d: {  	_ =	strace $0x8FFFFFFF  }
0x9e: {  	s20 =	sld [smem:$0x3FDB];
	_ =	sdelay $0x1  }
0x9f: {  	s5 =	simm.s32 $_scs_section_size  }
0xa0: {  	s6 =	simm.s32 $_size__tile_overlayer_lowered;
	s7 =	simm.s32 $_tile_overlayer_lowered  }
0xa1: {  	s23 =	simm.s32 $0x1BFF;
	s22 =	sshll.u32 s7, $0x1;
	s4 =	sadd.s32 s5, s20  }
0xa2: {  	s8 =	simm.s32 $0x0;
	s21 =	sshll.u32 s6, $0x1;
	s6 =	sadd.s32 s22, s4  }
0xa3: {  	[timem:s8], [sflag:s23] =	dma.local [hbm:s6], s21  }
0xa4: {  	_ =	swait.ge [sflag:s23], s21  }
0xa5: {  	s5 =	ssub.s32 $0x0, s21;
	[sflag:s23] =	ssyncset.done $0x0  }
0xa6: {  	[sflag:s23] =	ssyncadd.s32 s5;
	_ =	sdelay $0x1  }
0xa7: {  	s24 =	simm.s32 $0x1B8B  }
0xa8: {  	_ =	swait.ge [sflag:s24], $0x1  }
0xa9: {  	[sflag:s24] =	ssyncset.done $0x0  }
0xaa: {  	s25 =	simm.s32 $0x1B8E;
	[sflag:s24] =	ssyncadd.s32 $0xFFFFFFFF  }
0xab: {  	s26 =	simm.s32 $execute0_lowered;
	[smem:$0x3FD2] =	sst s25  }
0xac: {  	s5 =	sshll.u32 s26, $0x1;
	_ =	strace $0x80000046;
	[dreg:$0x1] =	wrdreg $0xFFFFFFFF  }
0xad: {  	s28 =	simm.s32 $_size_execute0_lowered;
	s4 =	sadd.s32 s4, s5;
	[dreg:$0x0] =	wrdreg $0x0  }
0xae: {  	s5 =	sshll.u32 s28, $0x1;
	[dreg:$0x2] =	wrdreg s4  }
0xaf: {  	[dreg:$0x3] =	wrdreg s5  }
0xb0: {  	[dreg:$0x4] =	wrdreg $0xC0  }
0xb1: {  	_ =	task [dreg:s8], $0x5FFFF  }
0xb2: {  	[dreg:$0x1] =	wrdreg $0xFFFFFFFF  }
0xb3: {  	[dreg:$0x0] =	wrdreg $0x60  }
0xb4: {  	[dreg:$0x2] =	wrdreg s17  }
0xb5: {  	[dreg:$0x3] =	wrdreg s18  }
0xb6: {  	[dreg:$0x4] =	wrdreg $0x9  }
0xb7: {  	_ =	task.clear_ibuf [dreg:s8], $0x5FFFF;
	_ =	strace $0x90000046  }
0xb8: {  	s29 =	simm.s32 $0x9;
	_ =	strace $0x80000048  }
0xb9: {  	_ =	swait.ge [sflag:s29], $0x1  }
0xba: {  	[sflag:s29] =	ssyncadd.s32 $0xFFFFFFFF  }
0xbb: {  	_ =	strace $0x90000048  }
0xbc: {  	_ =	sfence  }
0xbd: {  	s30 =	sld [smem:$0x0];
	_ =	sdelay $0x2  }
0xbe: {  	s31 =	sshll.u32 s1, $0xD;
	s1 =	sshrl.u32 s1, $0x2  }
0xbf: {  	s3 =	sand.u32 $0x4000, s31;
	s1 =	sadd.s32 s1, s30  }
0xc0: {  	s0 =	sor.u32 s3, s0;
	s1 =	sshll.u32 s1, $0x11  }
0xc1: {  	s0 =	sor.u32 s1, s0  }
0xc2: {  	s0 =	sadd.s32 $0x8F2B, s0  }
0xc3: {  	[sflag:s0] =	ssyncadd.remote.s32 $0x1  }
0xc4: {  	_ =	sfence.sel $0xFFFF  }
0xc5: {  	[dreg:$0x0] =	wrdreg $0xFFFFFFFF;
	(pc) =	sbr.abs _section_cstart, $3  }
0xc6: {  	[dreg:$0x1] =	wrdreg $0xFFFFFFFF  }
0xc7: {  	_ =	task.clear_ibuf [dreg:s8], $0x2FFFF;
	_ =	strace $0x9FFFFFFF  }
0xc8: {  	(tm) =	ssettm $0x7FFFFFFF  }
0xc9: {  	_ =	shalt  }
tec
execute0_lowered:
.L_overlay_start_1:
0x0: {  	(tag) =	ssettag $0x1  }
0x1: {  	s3 =	rddreg [dreg:$0x0];
	s1 =	srdreg.scid  }
0x2: {  	s0 =	stileid.u32;
	s4 =	rddreg [dreg:$0x1];
	s9 =	simm.s32 $0x400  }
0x3: {  	s10 =	simm.s32 $0x0;
	s5 =	sand.u32 $0x1, s1;
	s2 =	sshll.u32 s0, $0x1  }
0x4: {  	s1 =	rddreg [dreg:$0x2];
	s7 =	sshrl.u32 s0, $0x2;
	s6 =	sor.u32 s5, s2  }
0x5: {  	s2 =	simm.s32 $0x0;
	s7 =	smul.u32 $0x14000, s7;
	s5 =	ssub.s32 $0x2, s5  }
0x6: {  	s8 =	sshll.u32 s6, $0x7;
	[smem:$0x7FF] =	sst s2;
	s6 =	smul.u32 $0x4E2, s6  }
0x7: {  	s31 =	sshrl.u32 s5, $0x1;
	s8 =	sand.u32 $0x380, s8;
	_ =	strace $0x80000047  }
0x8: {  	s5 =	ssub.s32 s5, s31;
	s7 =	sor.u32 s7, s8;
	s3 =	sadd.s32 s3, s6  }
0x9: {  	s5 =	smax.u32 s5, $0x1;
	s6 =	simm.s32 $0x1;
	s7 =	sshrl.u32 s7, $0x3  }
0xa: {  	v0 =	vimm.f32 $0.0e+00;
	v1 =	vimm.f32 $1.000000000e+00;
	s8 =	simm.s32 $0x80;
	s4 =	sadd.s32 s4, s7;
	s7 =	simm.s32 $0x2780  }
.LBB2_1:
0xb: {  	[tilespmem:s2], [sflag:$0x1] =	stream.linear.gather [hbm4b:s3+s2], $0x2710, $0x38;
	[tilespmem:$0x4F80] =	vst v63  }
0xc: {  	_ =	swait.ge [sflag:s6], $0x2710  }
0xd: {  	[sflag:s6] =	ssyncset.done $0x0  }
0xe: {  	s11 =	simm.s32 $0x0;
	[sflag:s6] =	ssyncadd.s32 $0xFFFFD8F0  }
.LBB2_2:
0xf: {  	p0 =	sne.s32 s11, $0x9FC0  }
.Ltmp0:
0x10: {  	_ = 	snop;
	(pc) =	sbr.rel @p0 .LBB2_2-.Ltmp0, $3  }
0x11: {  	_ =	sdelay $0x1  }
0x12: {  	s12 =	sshra.s32 s11, $0x2  }
0x13: {  	s11 =	sadd.s32 $0x40, s11;
	[tilespmem:s12+$0x2780] =	vst v0  }
0x14: {  	s12 =	simm.s32 $0x0;
	s11 =	simm.s32 $0x40  }
.LBB2_4:
0x15: {  	p0 =	sne.s32 s11, $0x9C00;
	v2 =	vld [tilespmem:s12+$0x0];
	_ =	sdelay $0x3  }
.Ltmp1:
0x16: {  	(pc) =	sbr.rel @p0 .LBB2_4-.Ltmp1, $2  }
0x17: {  	_ =	sdelay $0x2  }
0x18: {  	s12 =	sshra.s32 s11, $0x2;
	s11 =	sadd.s32 $0x40, s11;
	[tilespmem:v2+s7+$0x0] =	vst.idx.add.f32.msk $0xffff, v1  }
0x19: {  	v2 =	vld [tilespmem:s12+$0x0];
	_ =	sdelay $0x5  }
0x1a: {  	s10 =	sadd.s32 $0x1, s10  }
0x1b: {  	p0 =	sne.s32 s10, s5  }
.Ltmp2:
0x1c: {  	[tilespmem:v2+s7+$0x0] =	vst.idx.add.f32.msk $0xffff, v1;
	(pc) =	sbr.rel @p0 .LBB2_1-.Ltmp2, $4  }
0x1d: {  	[hbm4b:s4+s8] =	stream.strided.scatter [tilespmem:s7], [sflag:$0x1], $0x2800, s9, s8, $0x38;
	[tilespmem:$0x4F80] =	vst v63  }
0x1e: {  	_ =	swait.ge [sflag:s6], $0x2800  }
0x1f: {  	[sflag:s6] =	ssyncset.done $0x0  }
0x20: {  	[sflag:s6] =	ssyncadd.s32 $0xFFFFD800  }
0x21: {  	_ =	sfence.sel $0x180000  }
0x22: {  	[bflag:$0x0] =	sbarrier.arrive $0xFFFF  }
0x23: {  	p0 =	sne.s32 s0, $0x0;
	_ =	strace $0x90000047  }
0x24: {  	s0 =	sadd.s32 @!p0 $0x100000, s1;
	[bflag:$0x2] =	sbarrier.arrive $0xFFFF  }
0x25: {  	[sflag:s0] =	ssyncadd.tile.s32 @!p0 $0x1;
	_ =	shalt  }
.Lfunc_end2:
_tile_overlayer_lowered:
.L_overlay_start_2:
0x26: {  	(tag) =	ssettag $0x2  }
0x27: {  	s0 =	rddreg [dreg:$0x0];
	s2 =	stileid.u32  }
0x28: {  	s1 =	rddreg [dreg:$0x1];
	p0 =	sne.s32 s2, $0x0  }
0x29: {  	s3 =	rddreg [dreg:$0x2];
	[bflag:$0x3] =	sbarrier.arrive $0xFFFF;
	s2 =	simm.s32 @!p0 $0x1C02  }
0x2a: {  	[timem:s3], [sflag:s2] =	dma.local @!p0 [hbm:s0], s1  }
0x2b: {  	s0 =	simm.s32 @!p0 $0x2  }
0x2c: {  	_ =	swait.ge @!p0 [sflag:s0], s1  }
0x2d: {  	s1 =	ssub.s32 @!p0 $0x0, s1;
	[sflag:s0] =	ssyncset.done @!p0 $0x0  }
0x2e: {  	[sflag:s0] =	ssyncadd.s32 @!p0 s1  }
0x2f: {  	[bflag:$0x3] =	sbarrier.arrive $0xFFFF  }
0x30: {  	_ =	shalt  }

</sc_bundles>
